<compile_context>
chip_gen: v7x
topology: tpu7x:2x2x1
jax: 0.10.2.dev20260603
libtpu: 0.0.44.dev20260713+nightly
codegen_flags: <defaults>
</compile_context>

<pallas_src>
import functools

import jax
import jax.numpy as jnp
from jax import lax
from jax.experimental import pallas as pl
from jax.experimental.pallas import tpu as pltpu
from jax.experimental.pallas import tpu_sc as plsc

_B = 4096
_NN = 4
_D = 128
_R = 16
_NB = 10
_EPG = 6
_GB = 128
_NBLK = _B // _GB
_NBL = _GB * _NN
_NC = _NN * _NB

_NWORK = 32
_GW = _B // _NWORK
_EW = _GW * _EPG
_NWN = _GW * _NN
_CNTN = _NWN * _R
_CDN = _NWN * _NC
_WSN = _NWN * _NB


def _sc_mix_body(src_hbm, dst_hbm, et_hbm, comp_hbm, cd_hbm, ws_hbm,
                 src_v, dst_v, et_v, comp_v, cnt_v, cd_v, ws_v):
    c = lax.axis_index("c")
    s = lax.axis_index("s")
    wid = s * 2 + c
    ebase = wid * _EW
    nbase = wid * _NWN

    pltpu.sync_copy(src_hbm.at[pl.ds(ebase, _EW)], src_v)
    pltpu.sync_copy(dst_hbm.at[pl.ds(ebase, _EW)], dst_v)
    pltpu.sync_copy(et_hbm.at[pl.ds(ebase, _EW)], et_v)
    pltpu.sync_copy(comp_hbm, comp_v)

    zf = jnp.zeros((16,), jnp.float32)

    def _zero(ref, n):
        def body(i, carry):
            ref[pl.ds(i * 16, 16)] = zf
            return carry
        lax.fori_loop(0, n // 16, body, 0)

    _zero(cnt_v, _CNTN)
    _zero(cd_v, _CDN)
    _zero(ws_v, _WSN)

    lane = lax.broadcasted_iota(jnp.int32, (16,), 0)
    ones = jnp.ones((16,), jnp.float32)

    def pass1(grp, carry):
        for j in range(_EPG):
            eidx = grp * (16 * _EPG) + lane * _EPG + j
            d = plsc.load_gather(dst_v, [eidx]) - nbase
            et = plsc.load_gather(et_v, [eidx])
            plsc.addupdate_scatter(cnt_v, [d * _R + et], ones)
        return carry

    lax.fori_loop(0, _GW // 16, pass1, 0)

    def pass2(grp, carry):
        for j in range(_EPG):
            eidx = grp * (16 * _EPG) + lane * _EPG + j
            sl = plsc.load_gather(src_v, [eidx]) - nbase
            d = plsc.load_gather(dst_v, [eidx]) - nbase
            et = plsc.load_gather(et_v, [eidx])
            delta = (d - sl) & (_NN - 1)
            cnt = plsc.load_gather(cnt_v, [d * _R + et])
            inv = 1.0 / cnt
            cdi = d * _NC + delta * _NB
            wsi = sl * _NB
            for b in range(_NB):
                w = plsc.load_gather(comp_v, [et * _NB + b]) * inv
                plsc.addupdate_scatter(cd_v, [cdi + b], w)
                plsc.addupdate_scatter(ws_v, [wsi + b], w)
        return carry

    lax.fori_loop(0, _GW // 16, pass2, 0)

    pltpu.sync_copy(cd_v, cd_hbm.at[pl.ds(wid * _CDN, _CDN)])
    pltpu.sync_copy(ws_v, ws_hbm.at[pl.ds(wid * _WSN, _WSN)])


_sc_mix = functools.partial(
    pl.kernel,
    out_type=[jax.ShapeDtypeStruct((_B * _NN * _NC,), jnp.float32),
              jax.ShapeDtypeStruct((_B * _NN * _NB,), jnp.float32)],
    mesh=plsc.VectorSubcoreMesh(core_axis_name="c", subcore_axis_name="s"),
    compiler_params=pltpu.CompilerParams(needs_layout_passes=False),
    scratch_types=[
        pltpu.VMEM((_EW,), jnp.int32),
        pltpu.VMEM((_EW,), jnp.int32),
        pltpu.VMEM((_EW,), jnp.int32),
        pltpu.VMEM((_R * _NB,), jnp.float32),
        pltpu.VMEM((_CNTN,), jnp.float32),
        pltpu.VMEM((_CDN,), jnp.float32),
        pltpu.VMEM((_WSN,), jnp.float32),
    ],
)(_sc_mix_body)


def _roll_nodes(a3, d):
    return jnp.concatenate([a3[:, _NN - d:, :], a3[:, :_NN - d, :]],
                           axis=1).reshape(_NBL, _D)


def _fused(cd_ref, ws_ref, x_ref, t_ref, bstack_ref, root_ref, bias_ref,
           exp_ref, out_ref):
    cdexp = jnp.dot(cd_ref[...], exp_ref[...],
                    preferred_element_type=jnp.float32)

    x = x_ref[...]
    x3 = x.reshape(_GB, _NN, _D)
    xsh = [x] + [_roll_nodes(x3, d) for d in range(1, _NN)]

    bstack = bstack_ref[...]
    rootm = root_ref[...]
    bvec = bias_ref[...]

    parts = []
    for b in range(_NB):
        acc = cdexp[:, b * _D:(b + 1) * _D] * xsh[0]
        for d in range(1, _NN):
            c = d * _NB + b
            acc = acc + cdexp[:, c * _D:(c + 1) * _D] * xsh[d]
        parts.append(acc)
    ycat = jnp.concatenate(parts, axis=1)
    agg = jnp.dot(ycat, bstack, preferred_element_type=jnp.float32)
    agg = agg + jnp.dot(x, rootm, preferred_element_type=jnp.float32) + bvec
    h = jnp.maximum(agg, 0.0)

    wexp = jnp.dot(ws_ref[...], exp_ref[:_NB, :_NB * _D],
                   preferred_element_type=jnp.float32)
    uparts = [wexp[:, b * _D:(b + 1) * _D] * h for b in range(_NB)]
    u = jnp.concatenate(uparts, axis=1)
    rg = (jax.lax.broadcasted_iota(jnp.int32, (_GB, _NBL), 0) ==
          jax.lax.broadcasted_iota(jnp.int32, (_GB, _NBL), 1) // _NN
          ).astype(jnp.float32)
    zcat = jnp.dot(rg, u, preferred_element_type=jnp.float32)
    hsum = jnp.dot(rg, h, preferred_element_type=jnp.float32)
    gvec = jnp.dot(zcat, bstack, preferred_element_type=jnp.float32)
    gvec = gvec + jnp.dot(hsum, rootm,
                          preferred_element_type=jnp.float32) + _NN * bvec

    t = t_ref[...]
    num = jnp.sum(gvec * t, axis=1)
    den = jnp.sqrt(jnp.sum(gvec * gvec, axis=1)) * jnp.sqrt(jnp.sum(t * t,
                                                                    axis=1))
    out_ref[0, 0, :] = num / jnp.maximum(den, 1e-8)


def kernel(x, edge_index, edge_type, batch_idx, target_embeds, bases, comp,
           root, bias):
    src = edge_index[0].reshape(_B * _EPG).astype(jnp.int32)
    dst = edge_index[1].reshape(_B * _EPG).astype(jnp.int32)
    et = edge_type.reshape(_B * _EPG).astype(jnp.int32)
    compf = comp.reshape(_R * _NB).astype(jnp.float32)

    cd_flat, ws_flat = _sc_mix(src, dst, et, compf)
    cd = cd_flat.reshape(_B * _NN, _NC)
    ws = ws_flat.reshape(_B * _NN, _NB)

    bstack = bases.reshape(_NB * _D, _D)
    bias2 = bias.reshape(1, _D)
    expand = jnp.repeat(jnp.eye(_NC, dtype=jnp.float32), _D, axis=1)
    out = pl.pallas_call(
        _fused,
        grid=(_NBLK,),
        in_specs=[
            pl.BlockSpec((_NBL, _NC), lambda i: (i, 0)),
            pl.BlockSpec((_NBL, _NB), lambda i: (i, 0)),
            pl.BlockSpec((_NBL, _D), lambda i: (i, 0)),
            pl.BlockSpec((_GB, _D), lambda i: (i, 0)),
            pl.BlockSpec((_NB * _D, _D), lambda i: (0, 0)),
            pl.BlockSpec((_D, _D), lambda i: (0, 0)),
            pl.BlockSpec((1, _D), lambda i: (0, 0)),
            pl.BlockSpec((_NC, _NC * _D), lambda i: (0, 0)),
        ],
        out_specs=pl.BlockSpec((1, 1, _GB), lambda i: (i, 0, 0)),
        out_shape=jax.ShapeDtypeStruct((_NBLK, 1, _GB), jnp.float32),
    )(cd, ws, x, target_embeds, bstack, root, bias2, expand)
    return out.reshape(_B)

# --- scband reference (transcript-rebuilt; emitter-appended) ---
"""Pipeline reference for scband-rgcnencoder-decoder-87935160418952 (READ-ONLY COPY).

The authoritative reference and input builder live on the scoring server;
editing this copy changes nothing except your own understanding.
"""

import jax, jax.numpy as jnp
import numpy as np

B = 4096
NUM_NODES = 4
D = 128
R = 16
NB = 10
EPG = 6
N = B * NUM_NODES
E = B * EPG


def setup_inputs(seed: int = 0) -> dict:
    key = jax.random.key(seed)
    ks = jax.random.split(key, 10)
    x = jax.random.normal(ks[0], (N, D), dtype=jnp.float32)
    base = jnp.repeat(jnp.arange(B, dtype=jnp.int32) * NUM_NODES, EPG)
    src = base + jax.random.randint(ks[1], (E,), 0, NUM_NODES, dtype=jnp.int32)
    dst = base + jax.random.randint(ks[2], (E,), 0, NUM_NODES, dtype=jnp.int32)
    edge_index = jnp.stack([src, dst], axis=0)
    edge_type = jax.random.randint(ks[3], (E,), 0, R, dtype=jnp.int32)
    batch_idx = jnp.repeat(jnp.arange(B, dtype=jnp.int32), NUM_NODES)
    target_embeds = jax.random.normal(ks[4], (B, D), dtype=jnp.float32)
    bases = jax.random.normal(ks[5], (NB, D, D), dtype=jnp.float32) * 0.05
    comp = jax.random.normal(ks[6], (R, NB), dtype=jnp.float32) * 0.3
    root = jax.random.normal(ks[7], (D, D), dtype=jnp.float32) * 0.05
    bias = jnp.zeros((D,), dtype=jnp.float32)
    return {"x": x, "edge_index": edge_index, "edge_type": edge_type,
            "batch_idx": batch_idx, "target_embeds": target_embeds,
            "bases": bases, "comp": comp, "root": root, "bias": bias}


def _rgcn_layer(x, src, dst, etype, W_all, root, bias, n_nodes):
    # PyG RGCNConv with basis decomposition and per-relation mean aggregation
    num_rel = W_all.shape[0]
    def body(agg, inp):
        W_r, r = inp
        xw = x @ W_r  # [N, d]
        mask = (etype == r).astype(x.dtype)  # [E]
        cnt = jax.ops.segment_sum(mask, dst, num_segments=n_nodes)  # [N]
        msg = xw[src] * mask[:, None]  # [E, d]
        s = jax.ops.segment_sum(msg, dst, num_segments=n_nodes)  # [N, d]
        agg = agg + s / jnp.clip(cnt, 1.0)[:, None]
        return agg, None
    agg0 = jnp.zeros_like(x)
    agg, _ = jax.lax.scan(body, agg0, (W_all, jnp.arange(num_rel)))
    return agg + x @ root + bias


def reference(x, edge_index, edge_type, batch_idx, target_embeds, bases, comp, root, bias):
    n_nodes = x.shape[0]
    batch_size = target_embeds.shape[0]
    src = edge_index[0]
    dst = edge_index[1]
    # basis decomposition: W[r] = sum_b comp[r, b] * bases[b]
    W_all = jnp.einsum('rb,bdf->rdf', comp, bases)
    # out = F.relu(rgcn(x, ...)); out = rgcn(out, ...)  (same conv applied twice)
    h = jax.nn.relu(_rgcn_layer(x, src, dst, edge_type, W_all, root, bias, n_nodes))
    out = _rgcn_layer(h, src, dst, edge_type, W_all, root, bias, n_nodes)
    # sum readout: scatter_add over batch_idx
    g = jax.ops.segment_sum(out, batch_idx, num_segments=batch_size)  # [B, d]
    # cosine similarity against target embeddings (eps=1e-8 like torch)
    num = jnp.sum(g * target_embeds, axis=1)
    den = jnp.maximum(jnp.linalg.norm(g, axis=1) * jnp.linalg.norm(target_embeds, axis=1), 1e-8)
    return num / den

if __name__ == "__main__":
    import jax
    _d = setup_inputs()
    print(jax.jit(kernel)(*tuple(_d.values())))

</pallas_src>

<mosaic_0001>
#map = affine_map<(d0, d1) -> (0)>
module attributes {stable_mosaic.version = 14 : i64} {
  func.func @_sc_mix_body(%arg0: i32, %arg1: i32, %arg2: memref<24576xi32, #tpu.memory_space<hbm>>, %arg3: memref<24576xi32, #tpu.memory_space<hbm>>, %arg4: memref<24576xi32, #tpu.memory_space<hbm>>, %arg5: memref<160xf32, #tpu.memory_space<hbm>>, %arg6: memref<655360xf32, #tpu.memory_space<hbm>>, %arg7: memref<163840xf32, #tpu.memory_space<hbm>>, %arg8: memref<768xi32, #tpu.memory_space<vmem>>, %arg9: memref<768xi32, #tpu.memory_space<vmem>>, %arg10: memref<768xi32, #tpu.memory_space<vmem>>, %arg11: memref<160xf32, #tpu.memory_space<vmem>>, %arg12: memref<8192xf32, #tpu.memory_space<vmem>>, %arg13: memref<20480xf32, #tpu.memory_space<vmem>>, %arg14: memref<5120xf32, #tpu.memory_space<vmem>>) attributes {dimension_semantics = [#tpu.dimension_semantics<core_parallel>, #tpu.dimension_semantics<subcore_parallel>], iteration_bounds = array<i64: 2, 16>, scalar_prefetch = 0 : i64, scratch_operands = 7 : i64, tpu.core_type = #tpu.core_type<sc_vector_subcore>, window_params = [{transform_indices = #map}, {transform_indices = #map}, {transform_indices = #map}, {transform_indices = #map}, {transform_indices = #map}, {transform_indices = #map}]} {
    %mul3A = arith.constant 2 : i32
    %mul3A_0 = arith.muli %arg1, %mul3A : i32
    %add3A = arith.addi %mul3A_0, %arg0 : i32
    %mul3A_1 = arith.constant 768 : i32
    %mul3A_2 = arith.muli %add3A, %mul3A_1 : i32
    %mul3A_3 = arith.constant 512 : i32
    %mul3A_4 = arith.muli %add3A, %mul3A_3 : i32
    "tpu.region"() ({
      %run_scoped3A = tpu.sem_alloc : memref<!tpu.dma_semaphore, #tpu.memory_space<semaphore_mem>>
      %dma_start3A = tpu.memref_slice %arg2[%mul3A_2] : memref<24576xi32, #tpu.memory_space<hbm>> -> memref<768xi32, #tpu.memory_space<hbm>>
      %dma_start3A_41 = tpu.memref_slice %arg2[%mul3A_2] : memref<24576xi32, #tpu.memory_space<hbm>> -> memref<768xi32, #tpu.memory_space<hbm>>
      tpu.enqueue_dma source(%dma_start3A_41 : memref<768xi32, #tpu.memory_space<hbm>>) target(%arg8 : memref<768xi32, #tpu.memory_space<vmem>>) target_semaphore(%run_scoped3A : memref<!tpu.dma_semaphore, #tpu.memory_space<semaphore_mem>>)
      %dma_wait3A = tpu.memref_slice %arg2[%mul3A_2] : memref<24576xi32, #tpu.memory_space<hbm>> -> memref<768xi32, #tpu.memory_space<hbm>>
      %dma_wait3A_42 = tpu.memref_slice %arg2[%mul3A_2] : memref<24576xi32, #tpu.memory_space<hbm>> -> memref<768xi32, #tpu.memory_space<hbm>>
      tpu.wait_dma2 semaphore(%run_scoped3A : memref<!tpu.dma_semaphore, #tpu.memory_space<semaphore_mem>>) src(%dma_wait3A_42 : memref<768xi32, #tpu.memory_space<hbm>>) dst(%arg8 : memref<768xi32, #tpu.memory_space<vmem>>)
      tpu.yield
    }) : () -> ()
    "tpu.region"() ({
      %run_scoped3A = tpu.sem_alloc : memref<!tpu.dma_semaphore, #tpu.memory_space<semaphore_mem>>
      %dma_start3A = tpu.memref_slice %arg3[%mul3A_2] : memref<24576xi32, #tpu.memory_space<hbm>> -> memref<768xi32, #tpu.memory_space<hbm>>
      %dma_start3A_41 = tpu.memref_slice %arg3[%mul3A_2] : memref<24576xi32, #tpu.memory_space<hbm>> -> memref<768xi32, #tpu.memory_space<hbm>>
      tpu.enqueue_dma source(%dma_start3A_41 : memref<768xi32, #tpu.memory_space<hbm>>) target(%arg9 : memref<768xi32, #tpu.memory_space<vmem>>) target_semaphore(%run_scoped3A : memref<!tpu.dma_semaphore, #tpu.memory_space<semaphore_mem>>)
      %dma_wait3A = tpu.memref_slice %arg3[%mul3A_2] : memref<24576xi32, #tpu.memory_space<hbm>> -> memref<768xi32, #tpu.memory_space<hbm>>
      %dma_wait3A_42 = tpu.memref_slice %arg3[%mul3A_2] : memref<24576xi32, #tpu.memory_space<hbm>> -> memref<768xi32, #tpu.memory_space<hbm>>
      tpu.wait_dma2 semaphore(%run_scoped3A : memref<!tpu.dma_semaphore, #tpu.memory_space<semaphore_mem>>) src(%dma_wait3A_42 : memref<768xi32, #tpu.memory_space<hbm>>) dst(%arg9 : memref<768xi32, #tpu.memory_space<vmem>>)
      tpu.yield
    }) : () -> ()
    "tpu.region"() ({
      %run_scoped3A = tpu.sem_alloc : memref<!tpu.dma_semaphore, #tpu.memory_space<semaphore_mem>>
      %dma_start3A = tpu.memref_slice %arg4[%mul3A_2] : memref<24576xi32, #tpu.memory_space<hbm>> -> memref<768xi32, #tpu.memory_space<hbm>>
      %dma_start3A_41 = tpu.memref_slice %arg4[%mul3A_2] : memref<24576xi32, #tpu.memory_space<hbm>> -> memref<768xi32, #tpu.memory_space<hbm>>
      tpu.enqueue_dma source(%dma_start3A_41 : memref<768xi32, #tpu.memory_space<hbm>>) target(%arg10 : memref<768xi32, #tpu.memory_space<vmem>>) target_semaphore(%run_scoped3A : memref<!tpu.dma_semaphore, #tpu.memory_space<semaphore_mem>>)
      %dma_wait3A = tpu.memref_slice %arg4[%mul3A_2] : memref<24576xi32, #tpu.memory_space<hbm>> -> memref<768xi32, #tpu.memory_space<hbm>>
      %dma_wait3A_42 = tpu.memref_slice %arg4[%mul3A_2] : memref<24576xi32, #tpu.memory_space<hbm>> -> memref<768xi32, #tpu.memory_space<hbm>>
      tpu.wait_dma2 semaphore(%run_scoped3A : memref<!tpu.dma_semaphore, #tpu.memory_space<semaphore_mem>>) src(%dma_wait3A_42 : memref<768xi32, #tpu.memory_space<hbm>>) dst(%arg10 : memref<768xi32, #tpu.memory_space<vmem>>)
      tpu.yield
    }) : () -> ()
    "tpu.region"() ({
      %run_scoped3A = tpu.sem_alloc : memref<!tpu.dma_semaphore, #tpu.memory_space<semaphore_mem>>
      tpu.enqueue_dma source(%arg5 : memref<160xf32, #tpu.memory_space<hbm>>) target(%arg11 : memref<160xf32, #tpu.memory_space<vmem>>) target_semaphore(%run_scoped3A : memref<!tpu.dma_semaphore, #tpu.memory_space<semaphore_mem>>)
      tpu.wait_dma2 semaphore(%run_scoped3A : memref<!tpu.dma_semaphore, #tpu.memory_space<semaphore_mem>>) src(%arg5 : memref<160xf32, #tpu.memory_space<hbm>>) dst(%arg11 : memref<160xf32, #tpu.memory_space<vmem>>)
      tpu.yield
    }) : () -> ()
    %broadcast_in_dim3A = arith.constant 0.000000e+00 : f32
    %broadcast_in_dim3A_5 = vector.broadcast %broadcast_in_dim3A : f32 to vector<16xf32>
    %scan3A = arith.constant 0 : i32
    %scan3A_6 = arith.constant 0 : i32
    %scan3A_7 = arith.constant 512 : i32
    %scan3A_8 = arith.addi %scan3A_6, %scan3A_7 : i32
    %scan3A_9 = arith.constant 1 : i32
    scf.for %scan3A_41 = %scan3A_6 to %scan3A_8 step %scan3A_9  : i32 {
      %mul3A_42 = arith.constant 16 : i32
      %mul3A_43 = arith.muli %scan3A_41, %mul3A_42 : i32
      %swap3A = arith.index_cast %mul3A_43 : i32 to index
      %swap3A_44 = tpu.vector_load %arg12[%swap3A] {strides = array<i32>} : memref<8192xf32, #tpu.memory_space<vmem>>, vector<16xf32>,
      tpu.vector_store %arg12[%swap3A], %broadcast_in_dim3A_5 {strides = array<i32>} : memref<8192xf32, #tpu.memory_space<vmem>>, vector<16xf32>,
    }
    %scan3A_10 = arith.constant 512 : i32
    %scan3A_11 = arith.constant 0 : i32
    %scan3A_12 = arith.constant 0 : i32
    %scan3A_13 = arith.constant 1280 : i32
    %scan3A_14 = arith.addi %scan3A_12, %scan3A_13 : i32
    %scan3A_15 = arith.constant 1 : i32
    scf.for %scan3A_41 = %scan3A_12 to %scan3A_14 step %scan3A_15  : i32 {
      %mul3A_42 = arith.constant 16 : i32
      %mul3A_43 = arith.muli %scan3A_41, %mul3A_42 : i32
      %swap3A = arith.index_cast %mul3A_43 : i32 to index
      %swap3A_44 = tpu.vector_load %arg13[%swap3A] {strides = array<i32>} : memref<20480xf32, #tpu.memory_space<vmem>>, vector<16xf32>,
      tpu.vector_store %arg13[%swap3A], %broadcast_in_dim3A_5 {strides = array<i32>} : memref<20480xf32, #tpu.memory_space<vmem>>, vector<16xf32>,
    }
    %scan3A_16 = arith.constant 1280 : i32
    %scan3A_17 = arith.constant 0 : i32
    %scan3A_18 = arith.constant 0 : i32
    %scan3A_19 = arith.constant 320 : i32
    %scan3A_20 = arith.addi %scan3A_18, %scan3A_19 : i32
    %scan3A_21 = arith.constant 1 : i32
    scf.for %scan3A_41 = %scan3A_18 to %scan3A_20 step %scan3A_21  : i32 {
      %mul3A_42 = arith.constant 16 : i32
      %mul3A_43 = arith.muli %scan3A_41, %mul3A_42 : i32
      %swap3A = arith.index_cast %mul3A_43 : i32 to index
      %swap3A_44 = tpu.vector_load %arg14[%swap3A] {strides = array<i32>} : memref<5120xf32, #tpu.memory_space<vmem>>, vector<16xf32>,
      tpu.vector_store %arg14[%swap3A], %broadcast_in_dim3A_5 {strides = array<i32>} : memref<5120xf32, #tpu.memory_space<vmem>>, vector<16xf32>,
    }
    %scan3A_22 = arith.constant 320 : i32
    %iota3A = tpu.iota {dimensions = array<i32: 0>} : vector<16xi32>
    %broadcast_in_dim3A_23 = arith.constant 1.000000e+00 : f32
    %broadcast_in_dim3A_24 = vector.broadcast %broadcast_in_dim3A_23 : f32 to vector<16xf32>
    %scan3A_25 = arith.constant 0 : i32
    %scan3A_26 = arith.constant 0 : i32
    %scan3A_27 = arith.constant 8 : i32
    %scan3A_28 = arith.addi %scan3A_26, %scan3A_27 : i32
    %scan3A_29 = arith.constant 1 : i32
    scf.for %scan3A_41 = %scan3A_26 to %scan3A_28 step %scan3A_29  : i32 {
      %mul3A_42 = arith.constant 96 : i32
      %mul3A_43 = arith.muli %scan3A_41, %mul3A_42 : i32
      %mul3A_44 = arith.constant 6 : i32
      %mul3A_45 = vector.broadcast %mul3A_44 : i32 to vector<16xi32>
      %mul3A_46 = arith.muli %iota3A, %mul3A_45 : vector<16xi32>
      %add3A_47 = vector.broadcast %mul3A_43 : i32 to vector<16xi32>
      %add3A_48 = arith.addi %add3A_47, %mul3A_46 : vector<16xi32>
      %add3A_49 = arith.constant 0 : i32
      %add3A_50 = vector.broadcast %add3A_49 : i32 to vector<16xi32>
      %add3A_51 = arith.addi %add3A_48, %add3A_50 : vector<16xi32>
      %gather3A = tpu.vector_load_idx %arg9[%add3A_51] : memref<768xi32, #tpu.memory_space<vmem>>[vector<16xi32>], vector<16xi32>,
      %sub3A = vector.broadcast %mul3A_4 : i32 to vector<16xi32>
      %sub3A_52 = arith.subi %gather3A, %sub3A : vector<16xi32>
      %gather3A_53 = tpu.vector_load_idx %arg10[%add3A_51] : memref<768xi32, #tpu.memory_space<vmem>>[vector<16xi32>], vector<16xi32>,
      %mul3A_54 = arith.constant 16 : i32
      %mul3A_55 = vector.broadcast %mul3A_54 : i32 to vector<16xi32>
      %mul3A_56 = arith.muli %sub3A_52, %mul3A_55 : vector<16xi32>
      %add3A_57 = arith.addi %mul3A_56, %gather3A_53 : vector<16xi32>
      tpu.vector_store_idx %arg12[%add3A_57], %broadcast_in_dim3A_24 {add = true} : memref<8192xf32, #tpu.memory_space<vmem>>[vector<16xi32>], vector<16xf32>,
      %mul3A_58 = arith.constant 96 : i32
      %mul3A_59 = arith.muli %scan3A_41, %mul3A_58 : i32
      %mul3A_60 = arith.constant 6 : i32
      %mul3A_61 = vector.broadcast %mul3A_60 : i32 to vector<16xi32>
      %mul3A_62 = arith.muli %iota3A, %mul3A_61 : vector<16xi32>
      %add3A_63 = vector.broadcast %mul3A_59 : i32 to vector<16xi32>
      %add3A_64 = arith.addi %add3A_63, %mul3A_62 : vector<16xi32>
      %add3A_65 = arith.constant 1 : i32
      %add3A_66 = vector.broadcast %add3A_65 : i32 to vector<16xi32>
      %add3A_67 = arith.addi %add3A_64, %add3A_66 : vector<16xi32>
      %gather3A_68 = tpu.vector_load_idx %arg9[%add3A_67] : memref<768xi32, #tpu.memory_space<vmem>>[vector<16xi32>], vector<16xi32>,
      %sub3A_69 = vector.broadcast %mul3A_4 : i32 to vector<16xi32>
      %sub3A_70 = arith.subi %gather3A_68, %sub3A_69 : vector<16xi32>
      %gather3A_71 = tpu.vector_load_idx %arg10[%add3A_67] : memref<768xi32, #tpu.memory_space<vmem>>[vector<16xi32>], vector<16xi32>,
      %mul3A_72 = arith.constant 16 : i32
      %mul3A_73 = vector.broadcast %mul3A_72 : i32 to vector<16xi32>
      %mul3A_74 = arith.muli %sub3A_70, %mul3A_73 : vector<16xi32>
      %add3A_75 = arith.addi %mul3A_74, %gather3A_71 : vector<16xi32>
      tpu.vector_store_idx %arg12[%add3A_75], %broadcast_in_dim3A_24 {add = true} : memref<8192xf32, #tpu.memory_space<vmem>>[vector<16xi32>], vector<16xf32>,
      %mul3A_76 = arith.constant 96 : i32
      %mul3A_77 = arith.muli %scan3A_41, %mul3A_76 : i32
      %mul3A_78 = arith.constant 6 : i32
      %mul3A_79 = vector.broadcast %mul3A_78 : i32 to vector<16xi32>
      %mul3A_80 = arith.muli %iota3A, %mul3A_79 : vector<16xi32>
      %add3A_81 = vector.broadcast %mul3A_77 : i32 to vector<16xi32>
      %add3A_82 = arith.addi %add3A_81, %mul3A_80 : vector<16xi32>
      %add3A_83 = arith.constant 2 : i32
      %add3A_84 = vector.broadcast %add3A_83 : i32 to vector<16xi32>
      %add3A_85 = arith.addi %add3A_82, %add3A_84 : vector<16xi32>
      %gather3A_86 = tpu.vector_load_idx %arg9[%add3A_85] : memref<768xi32, #tpu.memory_space<vmem>>[vector<16xi32>], vector<16xi32>,
      %sub3A_87 = vector.broadcast %mul3A_4 : i32 to vector<16xi32>
      %sub3A_88 = arith.subi %gather3A_86, %sub3A_87 : vector<16xi32>
      %gather3A_89 = tpu.vector_load_idx %arg10[%add3A_85] : memref<768xi32, #tpu.memory_space<vmem>>[vector<16xi32>], vector<16xi32>,
      %mul3A_90 = arith.constant 16 : i32
      %mul3A_91 = vector.broadcast %mul3A_90 : i32 to vector<16xi32>
      %mul3A_92 = arith.muli %sub3A_88, %mul3A_91 : vector<16xi32>
      %add3A_93 = arith.addi %mul3A_92, %gather3A_89 : vector<16xi32>
      tpu.vector_store_idx %arg12[%add3A_93], %broadcast_in_dim3A_24 {add = true} : memref<8192xf32, #tpu.memory_space<vmem>>[vector<16xi32>], vector<16xf32>,
      %mul3A_94 = arith.constant 96 : i32
      %mul3A_95 = arith.muli %scan3A_41, %mul3A_94 : i32
      %mul3A_96 = arith.constant 6 : i32
      %mul3A_97 = vector.broadcast %mul3A_96 : i32 to vector<16xi32>
      %mul3A_98 = arith.muli %iota3A, %mul3A_97 : vector<16xi32>
      %add3A_99 = vector.broadcast %mul3A_95 : i32 to vector<16xi32>
      %add3A_100 = arith.addi %add3A_99, %mul3A_98 : vector<16xi32>
      %add3A_101 = arith.constant 3 : i32
      %add3A_102 = vector.broadcast %add3A_101 : i32 to vector<16xi32>
      %add3A_103 = arith.addi %add3A_100, %add3A_102 : vector<16xi32>
      %gather3A_104 = tpu.vector_load_idx %arg9[%add3A_103] : memref<768xi32, #tpu.memory_space<vmem>>[vector<16xi32>], vector<16xi32>,
      %sub3A_105 = vector.broadcast %mul3A_4 : i32 to vector<16xi32>
      %sub3A_106 = arith.subi %gather3A_104, %sub3A_105 : vector<16xi32>
      %gather3A_107 = tpu.vector_load_idx %arg10[%add3A_103] : memref<768xi32, #tpu.memory_space<vmem>>[vector<16xi32>], vector<16xi32>,
      %mul3A_108 = arith.constant 16 : i32
      %mul3A_109 = vector.broadcast %mul3A_108 : i32 to vector<16xi32>
      %mul3A_110 = arith.muli %sub3A_106, %mul3A_109 : vector<16xi32>
      %add3A_111 = arith.addi %mul3A_110, %gather3A_107 : vector<16xi32>
      tpu.vector_store_idx %arg12[%add3A_111], %broadcast_in_dim3A_24 {add = true} : memref<8192xf32, #tpu.memory_space<vmem>>[vector<16xi32>], vector<16xf32>,
      %mul3A_112 = arith.constant 96 : i32
      %mul3A_113 = arith.muli %scan3A_41, %mul3A_112 : i32
      %mul3A_114 = arith.constant 6 : i32
      %mul3A_115 = vector.broadcast %mul3A_114 : i32 to vector<16xi32>
      %mul3A_116 = arith.muli %iota3A, %mul3A_115 : vector<16xi32>
      %add3A_117 = vector.broadcast %mul3A_113 : i32 to vector<16xi32>
      %add3A_118 = arith.addi %add3A_117, %mul3A_116 : vector<16xi32>
      %add3A_119 = arith.constant 4 : i32
      %add3A_120 = vector.broadcast %add3A_119 : i32 to vector<16xi32>
      %add3A_121 = arith.addi %add3A_118, %add3A_120 : vector<16xi32>
      %gather3A_122 = tpu.vector_load_idx %arg9[%add3A_121] : memref<768xi32, #tpu.memory_space<vmem>>[vector<16xi32>], vector<16xi32>,
      %sub3A_123 = vector.broadcast %mul3A_4 : i32 to vector<16xi32>
      %sub3A_124 = arith.subi %gather3A_122, %sub3A_123 : vector<16xi32>
      %gather3A_125 = tpu.vector_load_idx %arg10[%add3A_121] : memref<768xi32, #tpu.memory_space<vmem>>[vector<16xi32>], vector<16xi32>,
      %mul3A_126 = arith.constant 16 : i32
      %mul3A_127 = vector.broadcast %mul3A_126 : i32 to vector<16xi32>
      %mul3A_128 = arith.muli %sub3A_124, %mul3A_127 : vector<16xi32>
      %add3A_129 = arith.addi %mul3A_128, %gather3A_125 : vector<16xi32>
      tpu.vector_store_idx %arg12[%add3A_129], %broadcast_in_dim3A_24 {add = true} : memref<8192xf32, #tpu.memory_space<vmem>>[vector<16xi32>], vector<16xf32>,
      %mul3A_130 = arith.constant 96 : i32
      %mul3A_131 = arith.muli %scan3A_41, %mul3A_130 : i32
      %mul3A_132 = arith.constant 6 : i32
      %mul3A_133 = vector.broadcast %mul3A_132 : i32 to vector<16xi32>
      %mul3A_134 = arith.muli %iota3A, %mul3A_133 : vector<16xi32>
      %add3A_135 = vector.broadcast %mul3A_131 : i32 to vector<16xi32>
      %add3A_136 = arith.addi %add3A_135, %mul3A_134 : vector<16xi32>
      %add3A_137 = arith.constant 5 : i32
      %add3A_138 = vector.broadcast %add3A_137 : i32 to vector<16xi32>
      %add3A_139 = arith.addi %add3A_136, %add3A_138 : vector<16xi32>
      %gather3A_140 = tpu.vector_load_idx %arg9[%add3A_139] : memref<768xi32, #tpu.memory_space<vmem>>[vector<16xi32>], vector<16xi32>,
      %sub3A_141 = vector.broadcast %mul3A_4 : i32 to vector<16xi32>
      %sub3A_142 = arith.subi %gather3A_140, %sub3A_141 : vector<16xi32>
      %gather3A_143 = tpu.vector_load_idx %arg10[%add3A_139] : memref<768xi32, #tpu.memory_space<vmem>>[vector<16xi32>], vector<16xi32>,
      %mul3A_144 = arith.constant 16 : i32
      %mul3A_145 = vector.broadcast %mul3A_144 : i32 to vector<16xi32>
      %mul3A_146 = arith.muli %sub3A_142, %mul3A_145 : vector<16xi32>
      %add3A_147 = arith.addi %mul3A_146, %gather3A_143 : vector<16xi32>
      tpu.vector_store_idx %arg12[%add3A_147], %broadcast_in_dim3A_24 {add = true} : memref<8192xf32, #tpu.memory_space<vmem>>[vector<16xi32>], vector<16xf32>,
    }
    %scan3A_30 = arith.constant 8 : i32
    %scan3A_31 = arith.constant 0 : i32
    %scan3A_32 = arith.constant 0 : i32
    %scan3A_33 = arith.constant 8 : i32
    %scan3A_34 = arith.addi %scan3A_32, %scan3A_33 : i32
    %scan3A_35 = arith.constant 1 : i32
    scf.for %scan3A_41 = %scan3A_32 to %scan3A_34 step %scan3A_35  : i32 {
      %mul3A_42 = arith.constant 96 : i32
      %mul3A_43 = arith.muli %scan3A_41, %mul3A_42 : i32
      %mul3A_44 = arith.constant 6 : i32
      %mul3A_45 = vector.broadcast %mul3A_44 : i32 to vector<16xi32>
      %mul3A_46 = arith.muli %iota3A, %mul3A_45 : vector<16xi32>
      %add3A_47 = vector.broadcast %mul3A_43 : i32 to vector<16xi32>
      %add3A_48 = arith.addi %add3A_47, %mul3A_46 : vector<16xi32>
      %add3A_49 = arith.constant 0 : i32
      %add3A_50 = vector.broadcast %add3A_49 : i32 to vector<16xi32>
      %add3A_51 = arith.addi %add3A_48, %add3A_50 : vector<16xi32>
      %gather3A = tpu.vector_load_idx %arg8[%add3A_51] : memref<768xi32, #tpu.memory_space<vmem>>[vector<16xi32>], vector<16xi32>,
      %sub3A = vector.broadcast %mul3A_4 : i32 to vector<16xi32>
      %sub3A_52 = arith.subi %gather3A, %sub3A : vector<16xi32>
      %gather3A_53 = tpu.vector_load_idx %arg9[%add3A_51] : memref<768xi32, #tpu.memory_space<vmem>>[vector<16xi32>], vector<16xi32>,
      %sub3A_54 = vector.broadcast %mul3A_4 : i32 to vector<16xi32>
      %sub3A_55 = arith.subi %gather3A_53, %sub3A_54 : vector<16xi32>
      %gather3A_56 = tpu.vector_load_idx %arg10[%add3A_51] : memref<768xi32, #tpu.memory_space<vmem>>[vector<16xi32>], vector<16xi32>,
      %sub3A_57 = arith.subi %sub3A_55, %sub3A_52 : vector<16xi32>
      %and3A = arith.constant 3 : i32
      %and3A_58 = vector.broadcast %and3A : i32 to vector<16xi32>
      %and3A_59 = arith.andi %sub3A_57, %and3A_58 : vector<16xi32>
      %mul3A_60 = arith.constant 16 : i32
      %mul3A_61 = vector.broadcast %mul3A_60 : i32 to vector<16xi32>
      %mul3A_62 = arith.muli %sub3A_55, %mul3A_61 : vector<16xi32>
      %add3A_63 = arith.addi %mul3A_62, %gather3A_56 : vector<16xi32>
      %gather3A_64 = tpu.vector_load_idx %arg12[%add3A_63] : memref<8192xf32, #tpu.memory_space<vmem>>[vector<16xi32>], vector<16xf32>,
      %div3A = arith.constant 1.000000e+00 : f32
      %div3A_65 = vector.broadcast %div3A : f32 to vector<16xf32>
      %div3A_66 = arith.divf %div3A_65, %gather3A_64 : vector<16xf32>
      %mul3A_67 = arith.constant 40 : i32
      %mul3A_68 = vector.broadcast %mul3A_67 : i32 to vector<16xi32>
      %mul3A_69 = arith.muli %sub3A_55, %mul3A_68 : vector<16xi32>
      %mul3A_70 = arith.constant 10 : i32
      %mul3A_71 = vector.broadcast %mul3A_70 : i32 to vector<16xi32>
      %mul3A_72 = arith.muli %and3A_59, %mul3A_71 : vector<16xi32>
      %add3A_73 = arith.addi %mul3A_69, %mul3A_72 : vector<16xi32>
      %mul3A_74 = arith.constant 10 : i32
      %mul3A_75 = vector.broadcast %mul3A_74 : i32 to vector<16xi32>
      %mul3A_76 = arith.muli %sub3A_52, %mul3A_75 : vector<16xi32>
      %mul3A_77 = arith.constant 10 : i32
      %mul3A_78 = vector.broadcast %mul3A_77 : i32 to vector<16xi32>
      %mul3A_79 = arith.muli %gather3A_56, %mul3A_78 : vector<16xi32>
      %add3A_80 = arith.constant 0 : i32
      %add3A_81 = vector.broadcast %add3A_80 : i32 to vector<16xi32>
      %add3A_82 = arith.addi %mul3A_79, %add3A_81 : vector<16xi32>
      %gather3A_83 = tpu.vector_load_idx %arg11[%add3A_82] : memref<160xf32, #tpu.memory_space<vmem>>[vector<16xi32>], vector<16xf32>,
      %mul3A_84 = arith.mulf %gather3A_83, %div3A_66 : vector<16xf32>
      %add3A_85 = arith.constant 0 : i32
      %add3A_86 = vector.broadcast %add3A_85 : i32 to vector<16xi32>
      %add3A_87 = arith.addi %add3A_73, %add3A_86 : vector<16xi32>
      tpu.vector_store_idx %arg13[%add3A_87], %mul3A_84 {add = true} : memref<20480xf32, #tpu.memory_space<vmem>>[vector<16xi32>], vector<16xf32>,
      %add3A_88 = arith.constant 0 : i32
      %add3A_89 = vector.broadcast %add3A_88 : i32 to vector<16xi32>
      %add3A_90 = arith.addi %mul3A_76, %add3A_89 : vector<16xi32>
      tpu.vector_store_idx %arg14[%add3A_90], %mul3A_84 {add = true} : memref<5120xf32, #tpu.memory_space<vmem>>[vector<16xi32>], vector<16xf32>,
      %mul3A_91 = arith.constant 10 : i32
      %mul3A_92 = vector.broadcast %mul3A_91 : i32 to vector<16xi32>
      %mul3A_93 = arith.muli %gather3A_56, %mul3A_92 : vector<16xi32>
      %add3A_94 = arith.constant 1 : i32
      %add3A_95 = vector.broadcast %add3A_94 : i32 to vector<16xi32>
      %add3A_96 = arith.addi %mul3A_93, %add3A_95 : vector<16xi32>
      %gather3A_97 = tpu.vector_load_idx %arg11[%add3A_96] : memref<160xf32, #tpu.memory_space<vmem>>[vector<16xi32>], vector<16xf32>,
      %mul3A_98 = arith.mulf %gather3A_97, %div3A_66 : vector<16xf32>
      %add3A_99 = arith.constant 1 : i32
      %add3A_100 = vector.broadcast %add3A_99 : i32 to vector<16xi32>
      %add3A_101 = arith.addi %add3A_73, %add3A_100 : vector<16xi32>
      tpu.vector_store_idx %arg13[%add3A_101], %mul3A_98 {add = true} : memref<20480xf32, #tpu.memory_space<vmem>>[vector<16xi32>], vector<16xf32>,
      %add3A_102 = arith.constant 1 : i32
      %add3A_103 = vector.broadcast %add3A_102 : i32 to vector<16xi32>
      %add3A_104 = arith.addi %mul3A_76, %add3A_103 : vector<16xi32>
      tpu.vector_store_idx %arg14[%add3A_104], %mul3A_98 {add = true} : memref<5120xf32, #tpu.memory_space<vmem>>[vector<16xi32>], vector<16xf32>,
      %mul3A_105 = arith.constant 10 : i32
      %mul3A_106 = vector.broadcast %mul3A_105 : i32 to vector<16xi32>
      %mul3A_107 = arith.muli %gather3A_56, %mul3A_106 : vector<16xi32>
      %add3A_108 = arith.constant 2 : i32
      %add3A_109 = vector.broadcast %add3A_108 : i32 to vector<16xi32>
      %add3A_110 = arith.addi %mul3A_107, %add3A_109 : vector<16xi32>
      %gather3A_111 = tpu.vector_load_idx %arg11[%add3A_110] : memref<160xf32, #tpu.memory_space<vmem>>[vector<16xi32>], vector<16xf32>,
      %mul3A_112 = arith.mulf %gather3A_111, %div3A_66 : vector<16xf32>
      %add3A_113 = arith.constant 2 : i32
      %add3A_114 = vector.broadcast %add3A_113 : i32 to vector<16xi32>
      %add3A_115 = arith.addi %add3A_73, %add3A_114 : vector<16xi32>
      tpu.vector_store_idx %arg13[%add3A_115], %mul3A_112 {add = true} : memref<20480xf32, #tpu.memory_space<vmem>>[vector<16xi32>], vector<16xf32>,
      %add3A_116 = arith.constant 2 : i32
      %add3A_117 = vector.broadcast %add3A_116 : i32 to vector<16xi32>
      %add3A_118 = arith.addi %mul3A_76, %add3A_117 : vector<16xi32>
      tpu.vector_store_idx %arg14[%add3A_118], %mul3A_112 {add = true} : memref<5120xf32, #tpu.memory_space<vmem>>[vector<16xi32>], vector<16xf32>,
      %mul3A_119 = arith.constant 10 : i32
      %mul3A_120 = vector.broadcast %mul3A_119 : i32 to vector<16xi32>
      %mul3A_121 = arith.muli %gather3A_56, %mul3A_120 : vector<16xi32>
      %add3A_122 = arith.constant 3 : i32
      %add3A_123 = vector.broadcast %add3A_122 : i32 to vector<16xi32>
      %add3A_124 = arith.addi %mul3A_121, %add3A_123 : vector<16xi32>
      %gather3A_125 = tpu.vector_load_idx %arg11[%add3A_124] : memref<160xf32, #tpu.memory_space<vmem>>[vector<16xi32>], vector<16xf32>,
      %mul3A_126 = arith.mulf %gather3A_125, %div3A_66 : vector<16xf32>
      %add3A_127 = arith.constant 3 : i32
      %add3A_128 = vector.broadcast %add3A_127 : i32 to vector<16xi32>
      %add3A_129 = arith.addi %add3A_73, %add3A_128 : vector<16xi32>
      tpu.vector_store_idx %arg13[%add3A_129], %mul3A_126 {add = true} : memref<20480xf32, #tpu.memory_space<vmem>>[vector<16xi32>], vector<16xf32>,
      %add3A_130 = arith.constant 3 : i32
      %add3A_131 = vector.broadcast %add3A_130 : i32 to vector<16xi32>
      %add3A_132 = arith.addi %mul3A_76, %add3A_131 : vector<16xi32>
      tpu.vector_store_idx %arg14[%add3A_132], %mul3A_126 {add = true} : memref<5120xf32, #tpu.memory_space<vmem>>[vector<16xi32>], vector<16xf32>,
      %mul3A_133 = arith.constant 10 : i32
      %mul3A_134 = vector.broadcast %mul3A_133 : i32 to vector<16xi32>
      %mul3A_135 = arith.muli %gather3A_56, %mul3A_134 : vector<16xi32>
      %add3A_136 = arith.constant 4 : i32
      %add3A_137 = vector.broadcast %add3A_136 : i32 to vector<16xi32>
      %add3A_138 = arith.addi %mul3A_135, %add3A_137 : vector<16xi32>
      %gather3A_139 = tpu.vector_load_idx %arg11[%add3A_138] : memref<160xf32, #tpu.memory_space<vmem>>[vector<16xi32>], vector<16xf32>,
      %mul3A_140 = arith.mulf %gather3A_139, %div3A_66 : vector<16xf32>
      %add3A_141 = arith.constant 4 : i32
      %add3A_142 = vector.broadcast %add3A_141 : i32 to vector<16xi32>
      %add3A_143 = arith.addi %add3A_73, %add3A_142 : vector<16xi32>
      tpu.vector_store_idx %arg13[%add3A_143], %mul3A_140 {add = true} : memref<20480xf32, #tpu.memory_space<vmem>>[vector<16xi32>], vector<16xf32>,
      %add3A_144 = arith.constant 4 : i32
      %add3A_145 = vector.broadcast %add3A_144 : i32 to vector<16xi32>
      %add3A_146 = arith.addi %mul3A_76, %add3A_145 : vector<16xi32>
      tpu.vector_store_idx %arg14[%add3A_146], %mul3A_140 {add = true} : memref<5120xf32, #tpu.memory_space<vmem>>[vector<16xi32>], vector<16xf32>,
      %mul3A_147 = arith.constant 10 : i32
      %mul3A_148 = vector.broadcast %mul3A_147 : i32 to vector<16xi32>
      %mul3A_149 = arith.muli %gather3A_56, %mul3A_148 : vector<16xi32>
      %add3A_150 = arith.constant 5 : i32
      %add3A_151 = vector.broadcast %add3A_150 : i32 to vector<16xi32>
      %add3A_152 = arith.addi %mul3A_149, %add3A_151 : vector<16xi32>
      %gather3A_153 = tpu.vector_load_idx %arg11[%add3A_152] : memref<160xf32, #tpu.memory_space<vmem>>[vector<16xi32>], vector<16xf32>,
      %mul3A_154 = arith.mulf %gather3A_153, %div3A_66 : vector<16xf32>
      %add3A_155 = arith.constant 5 : i32
      %add3A_156 = vector.broadcast %add3A_155 : i32 to vector<16xi32>
      %add3A_157 = arith.addi %add3A_73, %add3A_156 : vector<16xi32>
      tpu.vector_store_idx %arg13[%add3A_157], %mul3A_154 {add = true} : memref<20480xf32, #tpu.memory_space<vmem>>[vector<16xi32>], vector<16xf32>,
      %add3A_158 = arith.constant 5 : i32
      %add3A_159 = vector.broadcast %add3A_158 : i32 to vector<16xi32>
      %add3A_160 = arith.addi %mul3A_76, %add3A_159 : vector<16xi32>
      tpu.vector_store_idx %arg14[%add3A_160], %mul3A_154 {add = true} : memref<5120xf32, #tpu.memory_space<vmem>>[vector<16xi32>], vector<16xf32>,
      %mul3A_161 = arith.constant 10 : i32
      %mul3A_162 = vector.broadcast %mul3A_161 : i32 to vector<16xi32>
      %mul3A_163 = arith.muli %gather3A_56, %mul3A_162 : vector<16xi32>
      %add3A_164 = arith.constant 6 : i32
      %add3A_165 = vector.broadcast %add3A_164 : i32 to vector<16xi32>
      %add3A_166 = arith.addi %mul3A_163, %add3A_165 : vector<16xi32>
      %gather3A_167 = tpu.vector_load_idx %arg11[%add3A_166] : memref<160xf32, #tpu.memory_space<vmem>>[vector<16xi32>], vector<16xf32>,
      %mul3A_168 = arith.mulf %gather3A_167, %div3A_66 : vector<16xf32>
      %add3A_169 = arith.constant 6 : i32
      %add3A_170 = vector.broadcast %add3A_169 : i32 to vector<16xi32>
      %add3A_171 = arith.addi %add3A_73, %add3A_170 : vector<16xi32>
      tpu.vector_store_idx %arg13[%add3A_171], %mul3A_168 {add = true} : memref<20480xf32, #tpu.memory_space<vmem>>[vector<16xi32>], vector<16xf32>,
      %add3A_172 = arith.constant 6 : i32
      %add3A_173 = vector.broadcast %add3A_172 : i32 to vector<16xi32>
      %add3A_174 = arith.addi %mul3A_76, %add3A_173 : vector<16xi32>
      tpu.vector_store_idx %arg14[%add3A_174], %mul3A_168 {add = true} : memref<5120xf32, #tpu.memory_space<vmem>>[vector<16xi32>], vector<16xf32>,
      %mul3A_175 = arith.constant 10 : i32
      %mul3A_176 = vector.broadcast %mul3A_175 : i32 to vector<16xi32>
      %mul3A_177 = arith.muli %gather3A_56, %mul3A_176 : vector<16xi32>
      %add3A_178 = arith.constant 7 : i32
      %add3A_179 = vector.broadcast %add3A_178 : i32 to vector<16xi32>
      %add3A_180 = arith.addi %mul3A_177, %add3A_179 : vector<16xi32>
      %gather3A_181 = tpu.vector_load_idx %arg11[%add3A_180] : memref<160xf32, #tpu.memory_space<vmem>>[vector<16xi32>], vector<16xf32>,
      %mul3A_182 = arith.mulf %gather3A_181, %div3A_66 : vector<16xf32>
      %add3A_183 = arith.constant 7 : i32
      %add3A_184 = vector.broadcast %add3A_183 : i32 to vector<16xi32>
      %add3A_185 = arith.addi %add3A_73, %add3A_184 : vector<16xi32>
      tpu.vector_store_idx %arg13[%add3A_185], %mul3A_182 {add = true} : memref<20480xf32, #tpu.memory_space<vmem>>[vector<16xi32>], vector<16xf32>,
      %add3A_186 = arith.constant 7 : i32
      %add3A_187 = vector.broadcast %add3A_186 : i32 to vector<16xi32>
      %add3A_188 = arith.addi %mul3A_76, %add3A_187 : vector<16xi32>
      tpu.vector_store_idx %arg14[%add3A_188], %mul3A_182 {add = true} : memref<5120xf32, #tpu.memory_space<vmem>>[vector<16xi32>], vector<16xf32>,
      %mul3A_189 = arith.constant 10 : i32
      %mul3A_190 = vector.broadcast %mul3A_189 : i32 to vector<16xi32>
      %mul3A_191 = arith.muli %gather3A_56, %mul3A_190 : vector<16xi32>
      %add3A_192 = arith.constant 8 : i32
      %add3A_193 = vector.broadcast %add3A_192 : i32 to vector<16xi32>
      %add3A_194 = arith.addi %mul3A_191, %add3A_193 : vector<16xi32>
      %gather3A_195 = tpu.vector_load_idx %arg11[%add3A_194] : memref<160xf32, #tpu.memory_space<vmem>>[vector<16xi32>], vector<16xf32>,
      %mul3A_196 = arith.mulf %gather3A_195, %div3A_66 : vector<16xf32>
      %add3A_197 = arith.constant 8 : i32
      %add3A_198 = vector.broadcast %add3A_197 : i32 to vector<16xi32>
      %add3A_199 = arith.addi %add3A_73, %add3A_198 : vector<16xi32>
      tpu.vector_store_idx %arg13[%add3A_199], %mul3A_196 {add = true} : memref<20480xf32, #tpu.memory_space<vmem>>[vector<16xi32>], vector<16xf32>,
      %add3A_200 = arith.constant 8 : i32
      %add3A_201 = vector.broadcast %add3A_200 : i32 to vector<16xi32>
      %add3A_202 = arith.addi %mul3A_76, %add3A_201 : vector<16xi32>
      tpu.vector_store_idx %arg14[%add3A_202], %mul3A_196 {add = true} : memref<5120xf32, #tpu.memory_space<vmem>>[vector<16xi32>], vector<16xf32>,
      %mul3A_203 = arith.constant 10 : i32
      %mul3A_204 = vector.broadcast %mul3A_203 : i32 to vector<16xi32>
      %mul3A_205 = arith.muli %gather3A_56, %mul3A_204 : vector<16xi32>
      %add3A_206 = arith.constant 9 : i32
      %add3A_207 = vector.broadcast %add3A_206 : i32 to vector<16xi32>
      %add3A_208 = arith.addi %mul3A_205, %add3A_207 : vector<16xi32>
      %gather3A_209 = tpu.vector_load_idx %arg11[%add3A_208] : memref<160xf32, #tpu.memory_space<vmem>>[vector<16xi32>], vector<16xf32>,
      %mul3A_210 = arith.mulf %gather3A_209, %div3A_66 : vector<16xf32>
      %add3A_211 = arith.constant 9 : i32
      %add3A_212 = vector.broadcast %add3A_211 : i32 to vector<16xi32>
      %add3A_213 = arith.addi %add3A_73, %add3A_212 : vector<16xi32>
      tpu.vector_store_idx %arg13[%add3A_213], %mul3A_210 {add = true} : memref<20480xf32, #tpu.memory_space<vmem>>[vector<16xi32>], vector<16xf32>,
      %add3A_214 = arith.constant 9 : i32
      %add3A_215 = vector.broadcast %add3A_214 : i32 to vector<16xi32>
      %add3A_216 = arith.addi %mul3A_76, %add3A_215 : vector<16xi32>
      tpu.vector_store_idx %arg14[%add3A_216], %mul3A_210 {add = true} : memref<5120xf32, #tpu.memory_space<vmem>>[vector<16xi32>], vector<16xf32>,
      %mul3A_217 = arith.constant 96 : i32
      %mul3A_218 = arith.muli %scan3A_41, %mul3A_217 : i32
      %mul3A_219 = arith.constant 6 : i32
      %mul3A_220 = vector.broadcast %mul3A_219 : i32 to vector<16xi32>
      %mul3A_221 = arith.muli %iota3A, %mul3A_220 : vector<16xi32>
      %add3A_222 = vector.broadcast %mul3A_218 : i32 to vector<16xi32>
      %add3A_223 = arith.addi %add3A_222, %mul3A_221 : vector<16xi32>
      %add3A_224 = arith.constant 1 : i32
      %add3A_225 = vector.broadcast %add3A_224 : i32 to vector<16xi32>
      %add3A_226 = arith.addi %add3A_223, %add3A_225 : vector<16xi32>
      %gather3A_227 = tpu.vector_load_idx %arg8[%add3A_226] : memref<768xi32, #tpu.memory_space<vmem>>[vector<16xi32>], vector<16xi32>,
      %sub3A_228 = vector.broadcast %mul3A_4 : i32 to vector<16xi32>
      %sub3A_229 = arith.subi %gather3A_227, %sub3A_228 : vector<16xi32>
      %gather3A_230 = tpu.vector_load_idx %arg9[%add3A_226] : memref<768xi32, #tpu.memory_space<vmem>>[vector<16xi32>], vector<16xi32>,
      %sub3A_231 = vector.broadcast %mul3A_4 : i32 to vector<16xi32>
      %sub3A_232 = arith.subi %gather3A_230, %sub3A_231 : vector<16xi32>
      %gather3A_233 = tpu.vector_load_idx %arg10[%add3A_226] : memref<768xi32, #tpu.memory_space<vmem>>[vector<16xi32>], vector<16xi32>,
      %sub3A_234 = arith.subi %sub3A_232, %sub3A_229 : vector<16xi32>
      %and3A_235 = arith.constant 3 : i32
      %and3A_236 = vector.broadcast %and3A_235 : i32 to vector<16xi32>
      %and3A_237 = arith.andi %sub3A_234, %and3A_236 : vector<16xi32>
      %mul3A_238 = arith.constant 16 : i32
      %mul3A_239 = vector.broadcast %mul3A_238 : i32 to vector<16xi32>
      %mul3A_240 = arith.muli %sub3A_232, %mul3A_239 : vector<16xi32>
      %add3A_241 = arith.addi %mul3A_240, %gather3A_233 : vector<16xi32>
      %gather3A_242 = tpu.vector_load_idx %arg12[%add3A_241] : memref<8192xf32, #tpu.memory_space<vmem>>[vector<16xi32>], vector<16xf32>,
      %div3A_243 = arith.constant 1.000000e+00 : f32
      %div3A_244 = vector.broadcast %div3A_243 : f32 to vector<16xf32>
      %div3A_245 = arith.divf %div3A_244, %gather3A_242 : vector<16xf32>
      %mul3A_246 = arith.constant 40 : i32
      %mul3A_247 = vector.broadcast %mul3A_246 : i32 to vector<16xi32>
      %mul3A_248 = arith.muli %sub3A_232, %mul3A_247 : vector<16xi32>
      %mul3A_249 = arith.constant 10 : i32
      %mul3A_250 = vector.broadcast %mul3A_249 : i32 to vector<16xi32>
      %mul3A_251 = arith.muli %and3A_237, %mul3A_250 : vector<16xi32>
      %add3A_252 = arith.addi %mul3A_248, %mul3A_251 : vector<16xi32>
      %mul3A_253 = arith.constant 10 : i32
      %mul3A_254 = vector.broadcast %mul3A_253 : i32 to vector<16xi32>
      %mul3A_255 = arith.muli %sub3A_229, %mul3A_254 : vector<16xi32>
      %mul3A_256 = arith.constant 10 : i32
      %mul3A_257 = vector.broadcast %mul3A_256 : i32 to vector<16xi32>
      %mul3A_258 = arith.muli %gather3A_233, %mul3A_257 : vector<16xi32>
      %add3A_259 = arith.constant 0 : i32
      %add3A_260 = vector.broadcast %add3A_259 : i32 to vector<16xi32>
      %add3A_261 = arith.addi %mul3A_258, %add3A_260 : vector<16xi32>
      %gather3A_262 = tpu.vector_load_idx %arg11[%add3A_261] : memref<160xf32, #tpu.memory_space<vmem>>[vector<16xi32>], vector<16xf32>,
      %mul3A_263 = arith.mulf %gather3A_262, %div3A_245 : vector<16xf32>
      %add3A_264 = arith.constant 0 : i32
      %add3A_265 = vector.broadcast %add3A_264 : i32 to vector<16xi32>
      %add3A_266 = arith.addi %add3A_252, %add3A_265 : vector<16xi32>
      tpu.vector_store_idx %arg13[%add3A_266], %mul3A_263 {add = true} : memref<20480xf32, #tpu.memory_space<vmem>>[vector<16xi32>], vector<16xf32>,
      %add3A_267 = arith.constant 0 : i32
      %add3A_268 = vector.broadcast %add3A_267 : i32 to vector<16xi32>
      %add3A_269 = arith.addi %mul3A_255, %add3A_268 : vector<16xi32>
      tpu.vector_store_idx %arg14[%add3A_269], %mul3A_263 {add = true} : memref<5120xf32, #tpu.memory_space<vmem>>[vector<16xi32>], vector<16xf32>,
      %mul3A_270 = arith.constant 10 : i32
      %mul3A_271 = vector.broadcast %mul3A_270 : i32 to vector<16xi32>
      %mul3A_272 = arith.muli %gather3A_233, %mul3A_271 : vector<16xi32>
      %add3A_273 = arith.constant 1 : i32
      %add3A_274 = vector.broadcast %add3A_273 : i32 to vector<16xi32>
      %add3A_275 = arith.addi %mul3A_272, %add3A_274 : vector<16xi32>
      %gather3A_276 = tpu.vector_load_idx %arg11[%add3A_275] : memref<160xf32, #tpu.memory_space<vmem>>[vector<16xi32>], vector<16xf32>,
      %mul3A_277 = arith.mulf %gather3A_276, %div3A_245 : vector<16xf32>
      %add3A_278 = arith.constant 1 : i32
      %add3A_279 = vector.broadcast %add3A_278 : i32 to vector<16xi32>
      %add3A_280 = arith.addi %add3A_252, %add3A_279 : vector<16xi32>
      tpu.vector_store_idx %arg13[%add3A_280], %mul3A_277 {add = true} : memref<20480xf32, #tpu.memory_space<vmem>>[vector<16xi32>], vector<16xf32>,
      %add3A_281 = arith.constant 1 : i32
      %add3A_282 = vector.broadcast %add3A_281 : i32 to vector<16xi32>
      %add3A_283 = arith.addi %mul3A_255, %add3A_282 : vector<16xi32>
      tpu.vector_store_idx %arg14[%add3A_283], %mul3A_277 {add = true} : memref<5120xf32, #tpu.memory_space<vmem>>[vector<16xi32>], vector<16xf32>,
      %mul3A_284 = arith.constant 10 : i32
      %mul3A_285 = vector.broadcast %mul3A_284 : i32 to vector<16xi32>
      %mul3A_286 = arith.muli %gather3A_233, %mul3A_285 : vector<16xi32>
      %add3A_287 = arith.constant 2 : i32
      %add3A_288 = vector.broadcast %add3A_287 : i32 to vector<16xi32>
      %add3A_289 = arith.addi %mul3A_286, %add3A_288 : vector<16xi32>
      %gather3A_290 = tpu.vector_load_idx %arg11[%add3A_289] : memref<160xf32, #tpu.memory_space<vmem>>[vector<16xi32>], vector<16xf32>,
      %mul3A_291 = arith.mulf %gather3A_290, %div3A_245 : vector<16xf32>
      %add3A_292 = arith.constant 2 : i32
      %add3A_293 = vector.broadcast %add3A_292 : i32 to vector<16xi32>
      %add3A_294 = arith.addi %add3A_252, %add3A_293 : vector<16xi32>
      tpu.vector_store_idx %arg13[%add3A_294], %mul3A_291 {add = true} : memref<20480xf32, #tpu.memory_space<vmem>>[vector<16xi32>], vector<16xf32>,
      %add3A_295 = arith.constant 2 : i32
      %add3A_296 = vector.broadcast %add3A_295 : i32 to vector<16xi32>
      %add3A_297 = arith.addi %mul3A_255, %add3A_296 : vector<16xi32>
      tpu.vector_store_idx %arg14[%add3A_297], %mul3A_291 {add = true} : memref<5120xf32, #tpu.memory_space<vmem>>[vector<16xi32>], vector<16xf32>,
      %mul3A_298 = arith.constant 10 : i32
      %mul3A_299 = vector.broadcast %mul3A_298 : i32 to vector<16xi32>
      %mul3A_300 = arith.muli %gather3A_233, %mul3A_299 : vector<16xi32>
      %add3A_301 = arith.constant 3 : i32
      %add3A_302 = vector.broadcast %add3A_301 : i32 to vector<16xi32>
      %add3A_303 = arith.addi %mul3A_300, %add3A_302 : vector<16xi32>
      %gather3A_304 = tpu.vector_load_idx %arg11[%add3A_303] : memref<160xf32, #tpu.memory_space<vmem>>[vector<16xi32>], vector<16xf32>,
      %mul3A_305 = arith.mulf %gather3A_304, %div3A_245 : vector<16xf32>
      %add3A_306 = arith.constant 3 : i32
      %add3A_307 = vector.broadcast %add3A_306 : i32 to vector<16xi32>
      %add3A_308 = arith.addi %add3A_252, %add3A_307 : vector<16xi32>
      tpu.vector_store_idx %arg13[%add3A_308], %mul3A_305 {add = true} : memref<20480xf32, #tpu.memory_space<vmem>>[vector<16xi32>], vector<16xf32>,
      %add3A_309 = arith.constant 3 : i32
      %add3A_310 = vector.broadcast %add3A_309 : i32 to vector<16xi32>
      %add3A_311 = arith.addi %mul3A_255, %add3A_310 : vector<16xi32>
      tpu.vector_store_idx %arg14[%add3A_311], %mul3A_305 {add = true} : memref<5120xf32, #tpu.memory_space<vmem>>[vector<16xi32>], vector<16xf32>,
      %mul3A_312 = arith.constant 10 : i32
      %mul3A_313 = vector.broadcast %mul3A_312 : i32 to vector<16xi32>
      %mul3A_314 = arith.muli %gather3A_233, %mul3A_313 : vector<16xi32>
      %add3A_315 = arith.constant 4 : i32
      %add3A_316 = vector.broadcast %add3A_315 : i32 to vector<16xi32>
      %add3A_317 = arith.addi %mul3A_314, %add3A_316 : vector<16xi32>
      %gather3A_318 = tpu.vector_load_idx %arg11[%add3A_317] : memref<160xf32, #tpu.memory_space<vmem>>[vector<16xi32>], vector<16xf32>,
      %mul3A_319 = arith.mulf %gather3A_318, %div3A_245 : vector<16xf32>
      %add3A_320 = arith.constant 4 : i32
      %add3A_321 = vector.broadcast %add3A_320 : i32 to vector<16xi32>
      %add3A_322 = arith.addi %add3A_252, %add3A_321 : vector<16xi32>
      tpu.vector_store_idx %arg13[%add3A_322], %mul3A_319 {add = true} : memref<20480xf32, #tpu.memory_space<vmem>>[vector<16xi32>], vector<16xf32>,
      %add3A_323 = arith.constant 4 : i32
      %add3A_324 = vector.broadcast %add3A_323 : i32 to vector<16xi32>
      %add3A_325 = arith.addi %mul3A_255, %add3A_324 : vector<16xi32>
      tpu.vector_store_idx %arg14[%add3A_325], %mul3A_319 {add = true} : memref<5120xf32, #tpu.memory_space<vmem>>[vector<16xi32>], vector<16xf32>,
      %mul3A_326 = arith.constant 10 : i32
      %mul3A_327 = vector.broadcast %mul3A_326 : i32 to vector<16xi32>
      %mul3A_328 = arith.muli %gather3A_233, %mul3A_327 : vector<16xi32>
      %add3A_329 = arith.constant 5 : i32
      %add3A_330 = vector.broadcast %add3A_329 : i32 to vector<16xi32>
      %add3A_331 = arith.addi %mul3A_328, %add3A_330 : vector<16xi32>
      %gather3A_332 = tpu.vector_load_idx %arg11[%add3A_331] : memref<160xf32, #tpu.memory_space<vmem>>[vector<16xi32>], vector<16xf32>,
      %mul3A_333 = arith.mulf %gather3A_332, %div3A_245 : vector<16xf32>
      %add3A_334 = arith.constant 5 : i32
      %add3A_335 = vector.broadcast %add3A_334 : i32 to vector<16xi32>
      %add3A_336 = arith.addi %add3A_252, %add3A_335 : vector<16xi32>
      tpu.vector_store_idx %arg13[%add3A_336], %mul3A_333 {add = true} : memref<20480xf32, #tpu.memory_space<vmem>>[vector<16xi32>], vector<16xf32>,
      %add3A_337 = arith.constant 5 : i32
      %add3A_338 = vector.broadcast %add3A_337 : i32 to vector<16xi32>
      %add3A_339 = arith.addi %mul3A_255, %add3A_338 : vector<16xi32>
      tpu.vector_store_idx %arg14[%add3A_339], %mul3A_333 {add = true} : memref<5120xf32, #tpu.memory_space<vmem>>[vector<16xi32>], vector<16xf32>,
      %mul3A_340 = arith.constant 10 : i32
      %mul3A_341 = vector.broadcast %mul3A_340 : i32 to vector<16xi32>
      %mul3A_342 = arith.muli %gather3A_233, %mul3A_341 : vector<16xi32>
      %add3A_343 = arith.constant 6 : i32
      %add3A_344 = vector.broadcast %add3A_343 : i32 to vector<16xi32>
      %add3A_345 = arith.addi %mul3A_342, %add3A_344 : vector<16xi32>
      %gather3A_346 = tpu.vector_load_idx %arg11[%add3A_345] : memref<160xf32, #tpu.memory_space<vmem>>[vector<16xi32>], vector<16xf32>,
      %mul3A_347 = arith.mulf %gather3A_346, %div3A_245 : vector<16xf32>
      %add3A_348 = arith.constant 6 : i32
      %add3A_349 = vector.broadcast %add3A_348 : i32 to vector<16xi32>
      %add3A_350 = arith.addi %add3A_252, %add3A_349 : vector<16xi32>
      tpu.vector_store_idx %arg13[%add3A_350], %mul3A_347 {add = true} : memref<20480xf32, #tpu.memory_space<vmem>>[vector<16xi32>], vector<16xf32>,
      %add3A_351 = arith.constant 6 : i32
      %add3A_352 = vector.broadcast %add3A_351 : i32 to vector<16xi32>
      %add3A_353 = arith.addi %mul3A_255, %add3A_352 : vector<16xi32>
      tpu.vector_store_idx %arg14[%add3A_353], %mul3A_347 {add = true} : memref<5120xf32, #tpu.memory_space<vmem>>[vector<16xi32>], vector<16xf32>,
      %mul3A_354 = arith.constant 10 : i32
      %mul3A_355 = vector.broadcast %mul3A_354 : i32 to vector<16xi32>
      %mul3A_356 = arith.muli %gather3A_233, %mul3A_355 : vector<16xi32>
      %add3A_357 = arith.constant 7 : i32
      %add3A_358 = vector.broadcast %add3A_357 : i32 to vector<16xi32>
      %add3A_359 = arith.addi %mul3A_356, %add3A_358 : vector<16xi32>
      %gather3A_360 = tpu.vector_load_idx %arg11[%add3A_359] : memref<160xf32, #tpu.memory_space<vmem>>[vector<16xi32>], vector<16xf32>,
      %mul3A_361 = arith.mulf %gather3A_360, %div3A_245 : vector<16xf32>
      %add3A_362 = arith.constant 7 : i32
      %add3A_363 = vector.broadcast %add3A_362 : i32 to vector<16xi32>
      %add3A_364 = arith.addi %add3A_252, %add3A_363 : vector<16xi32>
      tpu.vector_store_idx %arg13[%add3A_364], %mul3A_361 {add = true} : memref<20480xf32, #tpu.memory_space<vmem>>[vector<16xi32>], vector<16xf32>,
      %add3A_365 = arith.constant 7 : i32
      %add3A_366 = vector.broadcast %add3A_365 : i32 to vector<16xi32>
      %add3A_367 = arith.addi %mul3A_255, %add3A_366 : vector<16xi32>
      tpu.vector_store_idx %arg14[%add3A_367], %mul3A_361 {add = true} : memref<5120xf32, #tpu.memory_space<vmem>>[vector<16xi32>], vector<16xf32>,
      %mul3A_368 = arith.constant 10 : i32
      %mul3A_369 = vector.broadcast %mul3A_368 : i32 to vector<16xi32>
      %mul3A_370 = arith.muli %gather3A_233, %mul3A_369 : vector<16xi32>
      %add3A_371 = arith.constant 8 : i32
      %add3A_372 = vector.broadcast %add3A_371 : i32 to vector<16xi32>
      %add3A_373 = arith.addi %mul3A_370, %add3A_372 : vector<16xi32>
      %gather3A_374 = tpu.vector_load_idx %arg11[%add3A_373] : memref<160xf32, #tpu.memory_space<vmem>>[vector<16xi32>], vector<16xf32>,
      %mul3A_375 = arith.mulf %gather3A_374, %div3A_245 : vector<16xf32>
      %add3A_376 = arith.constant 8 : i32
      %add3A_377 = vector.broadcast %add3A_376 : i32 to vector<16xi32>
      %add3A_378 = arith.addi %add3A_252, %add3A_377 : vector<16xi32>
      tpu.vector_store_idx %arg13[%add3A_378], %mul3A_375 {add = true} : memref<20480xf32, #tpu.memory_space<vmem>>[vector<16xi32>], vector<16xf32>,
      %add3A_379 = arith.constant 8 : i32
      %add3A_380 = vector.broadcast %add3A_379 : i32 to vector<16xi32>
      %add3A_381 = arith.addi %mul3A_255, %add3A_380 : vector<16xi32>
      tpu.vector_store_idx %arg14[%add3A_381], %mul3A_375 {add = true} : memref<5120xf32, #tpu.memory_space<vmem>>[vector<16xi32>], vector<16xf32>,
      %mul3A_382 = arith.constant 10 : i32
      %mul3A_383 = vector.broadcast %mul3A_382 : i32 to vector<16xi32>
      %mul3A_384 = arith.muli %gather3A_233, %mul3A_383 : vector<16xi32>
      %add3A_385 = arith.constant 9 : i32
      %add3A_386 = vector.broadcast %add3A_385 : i32 to vector<16xi32>
      %add3A_387 = arith.addi %mul3A_384, %add3A_386 : vector<16xi32>
      %gather3A_388 = tpu.vector_load_idx %arg11[%add3A_387] : memref<160xf32, #tpu.memory_space<vmem>>[vector<16xi32>], vector<16xf32>,
      %mul3A_389 = arith.mulf %gather3A_388, %div3A_245 : vector<16xf32>
      %add3A_390 = arith.constant 9 : i32
      %add3A_391 = vector.broadcast %add3A_390 : i32 to vector<16xi32>
      %add3A_392 = arith.addi %add3A_252, %add3A_391 : vector<16xi32>
      tpu.vector_store_idx %arg13[%add3A_392], %mul3A_389 {add = true} : memref<20480xf32, #tpu.memory_space<vmem>>[vector<16xi32>], vector<16xf32>,
      %add3A_393 = arith.constant 9 : i32
      %add3A_394 = vector.broadcast %add3A_393 : i32 to vector<16xi32>
      %add3A_395 = arith.addi %mul3A_255, %add3A_394 : vector<16xi32>
      tpu.vector_store_idx %arg14[%add3A_395], %mul3A_389 {add = true} : memref<5120xf32, #tpu.memory_space<vmem>>[vector<16xi32>], vector<16xf32>,
      %mul3A_396 = arith.constant 96 : i32
      %mul3A_397 = arith.muli %scan3A_41, %mul3A_396 : i32
      %mul3A_398 = arith.constant 6 : i32
      %mul3A_399 = vector.broadcast %mul3A_398 : i32 to vector<16xi32>
      %mul3A_400 = arith.muli %iota3A, %mul3A_399 : vector<16xi32>
      %add3A_401 = vector.broadcast %mul3A_397 : i32 to vector<16xi32>
      %add3A_402 = arith.addi %add3A_401, %mul3A_400 : vector<16xi32>
      %add3A_403 = arith.constant 2 : i32
      %add3A_404 = vector.broadcast %add3A_403 : i32 to vector<16xi32>
      %add3A_405 = arith.addi %add3A_402, %add3A_404 : vector<16xi32>
      %gather3A_406 = tpu.vector_load_idx %arg8[%add3A_405] : memref<768xi32, #tpu.memory_space<vmem>>[vector<16xi32>], vector<16xi32>,
      %sub3A_407 = vector.broadcast %mul3A_4 : i32 to vector<16xi32>
      %sub3A_408 = arith.subi %gather3A_406, %sub3A_407 : vector<16xi32>
      %gather3A_409 = tpu.vector_load_idx %arg9[%add3A_405] : memref<768xi32, #tpu.memory_space<vmem>>[vector<16xi32>], vector<16xi32>,
      %sub3A_410 = vector.broadcast %mul3A_4 : i32 to vector<16xi32>
      %sub3A_411 = arith.subi %gather3A_409, %sub3A_410 : vector<16xi32>
      %gather3A_412 = tpu.vector_load_idx %arg10[%add3A_405] : memref<768xi32, #tpu.memory_space<vmem>>[vector<16xi32>], vector<16xi32>,
      %sub3A_413 = arith.subi %sub3A_411, %sub3A_408 : vector<16xi32>
      %and3A_414 = arith.constant 3 : i32
      %and3A_415 = vector.broadcast %and3A_414 : i32 to vector<16xi32>
      %and3A_416 = arith.andi %sub3A_413, %and3A_415 : vector<16xi32>
      %mul3A_417 = arith.constant 16 : i32
      %mul3A_418 = vector.broadcast %mul3A_417 : i32 to vector<16xi32>
      %mul3A_419 = arith.muli %sub3A_411, %mul3A_418 : vector<16xi32>
      %add3A_420 = arith.addi %mul3A_419, %gather3A_412 : vector<16xi32>
      %gather3A_421 = tpu.vector_load_idx %arg12[%add3A_420] : memref<8192xf32, #tpu.memory_space<vmem>>[vector<16xi32>], vector<16xf32>,
      %div3A_422 = arith.constant 1.000000e+00 : f32
      %div3A_423 = vector.broadcast %div3A_422 : f32 to vector<16xf32>
      %div3A_424 = arith.divf %div3A_423, %gather3A_421 : vector<16xf32>
      %mul3A_425 = arith.constant 40 : i32
      %mul3A_426 = vector.broadcast %mul3A_425 : i32 to vector<16xi32>
      %mul3A_427 = arith.muli %sub3A_411, %mul3A_426 : vector<16xi32>
      %mul3A_428 = arith.constant 10 : i32
      %mul3A_429 = vector.broadcast %mul3A_428 : i32 to vector<16xi32>
      %mul3A_430 = arith.muli %and3A_416, %mul3A_429 : vector<16xi32>
      %add3A_431 = arith.addi %mul3A_427, %mul3A_430 : vector<16xi32>
      %mul3A_432 = arith.constant 10 : i32
      %mul3A_433 = vector.broadcast %mul3A_432 : i32 to vector<16xi32>
      %mul3A_434 = arith.muli %sub3A_408, %mul3A_433 : vector<16xi32>
      %mul3A_435 = arith.constant 10 : i32
      %mul3A_436 = vector.broadcast %mul3A_435 : i32 to vector<16xi32>
      %mul3A_437 = arith.muli %gather3A_412, %mul3A_436 : vector<16xi32>
      %add3A_438 = arith.constant 0 : i32
      %add3A_439 = vector.broadcast %add3A_438 : i32 to vector<16xi32>
      %add3A_440 = arith.addi %mul3A_437, %add3A_439 : vector<16xi32>
      %gather3A_441 = tpu.vector_load_idx %arg11[%add3A_440] : memref<160xf32, #tpu.memory_space<vmem>>[vector<16xi32>], vector<16xf32>,
      %mul3A_442 = arith.mulf %gather3A_441, %div3A_424 : vector<16xf32>
      %add3A_443 = arith.constant 0 : i32
      %add3A_444 = vector.broadcast %add3A_443 : i32 to vector<16xi32>
      %add3A_445 = arith.addi %add3A_431, %add3A_444 : vector<16xi32>
      tpu.vector_store_idx %arg13[%add3A_445], %mul3A_442 {add = true} : memref<20480xf32, #tpu.memory_space<vmem>>[vector<16xi32>], vector<16xf32>,
      %add3A_446 = arith.constant 0 : i32
      %add3A_447 = vector.broadcast %add3A_446 : i32 to vector<16xi32>
      %add3A_448 = arith.addi %mul3A_434, %add3A_447 : vector<16xi32>
      tpu.vector_store_idx %arg14[%add3A_448], %mul3A_442 {add = true} : memref<5120xf32, #tpu.memory_space<vmem>>[vector<16xi32>], vector<16xf32>,
      %mul3A_449 = arith.constant 10 : i32
      %mul3A_450 = vector.broadcast %mul3A_449 : i32 to vector<16xi32>
      %mul3A_451 = arith.muli %gather3A_412, %mul3A_450 : vector<16xi32>
      %add3A_452 = arith.constant 1 : i32
      %add3A_453 = vector.broadcast %add3A_452 : i32 to vector<16xi32>
      %add3A_454 = arith.addi %mul3A_451, %add3A_453 : vector<16xi32>
      %gather3A_455 = tpu.vector_load_idx %arg11[%add3A_454] : memref<160xf32, #tpu.memory_space<vmem>>[vector<16xi32>], vector<16xf32>,
      %mul3A_456 = arith.mulf %gather3A_455, %div3A_424 : vector<16xf32>
      %add3A_457 = arith.constant 1 : i32
      %add3A_458 = vector.broadcast %add3A_457 : i32 to vector<16xi32>
      %add3A_459 = arith.addi %add3A_431, %add3A_458 : vector<16xi32>
      tpu.vector_store_idx %arg13[%add3A_459], %mul3A_456 {add = true} : memref<20480xf32, #tpu.memory_space<vmem>>[vector<16xi32>], vector<16xf32>,
      %add3A_460 = arith.constant 1 : i32
      %add3A_461 = vector.broadcast %add3A_460 : i32 to vector<16xi32>
      %add3A_462 = arith.addi %mul3A_434, %add3A_461 : vector<16xi32>
      tpu.vector_store_idx %arg14[%add3A_462], %mul3A_456 {add = true} : memref<5120xf32, #tpu.memory_space<vmem>>[vector<16xi32>], vector<16xf32>,
      %mul3A_463 = arith.constant 10 : i32
      %mul3A_464 = vector.broadcast %mul3A_463 : i32 to vector<16xi32>
      %mul3A_465 = arith.muli %gather3A_412, %mul3A_464 : vector<16xi32>
      %add3A_466 = arith.constant 2 : i32
      %add3A_467 = vector.broadcast %add3A_466 : i32 to vector<16xi32>
      %add3A_468 = arith.addi %mul3A_465, %add3A_467 : vector<16xi32>
      %gather3A_469 = tpu.vector_load_idx %arg11[%add3A_468] : memref<160xf32, #tpu.memory_space<vmem>>[vector<16xi32>], vector<16xf32>,
      %mul3A_470 = arith.mulf %gather3A_469, %div3A_424 : vector<16xf32>
      %add3A_471 = arith.constant 2 : i32
      %add3A_472 = vector.broadcast %add3A_471 : i32 to vector<16xi32>
      %add3A_473 = arith.addi %add3A_431, %add3A_472 : vector<16xi32>
      tpu.vector_store_idx %arg13[%add3A_473], %mul3A_470 {add = true} : memref<20480xf32, #tpu.memory_space<vmem>>[vector<16xi32>], vector<16xf32>,
      %add3A_474 = arith.constant 2 : i32
      %add3A_475 = vector.broadcast %add3A_474 : i32 to vector<16xi32>
      %add3A_476 = arith.addi %mul3A_434, %add3A_475 : vector<16xi32>
      tpu.vector_store_idx %arg14[%add3A_476], %mul3A_470 {add = true} : memref<5120xf32, #tpu.memory_space<vmem>>[vector<16xi32>], vector<16xf32>,
      %mul3A_477 = arith.constant 10 : i32
      %mul3A_478 = vector.broadcast %mul3A_477 : i32 to vector<16xi32>
      %mul3A_479 = arith.muli %gather3A_412, %mul3A_478 : vector<16xi32>
      %add3A_480 = arith.constant 3 : i32
      %add3A_481 = vector.broadcast %add3A_480 : i32 to vector<16xi32>
      %add3A_482 = arith.addi %mul3A_479, %add3A_481 : vector<16xi32>
      %gather3A_483 = tpu.vector_load_idx %arg11[%add3A_482] : memref<160xf32, #tpu.memory_space<vmem>>[vector<16xi32>], vector<16xf32>,
      %mul3A_484 = arith.mulf %gather3A_483, %div3A_424 : vector<16xf32>
      %add3A_485 = arith.constant 3 : i32
      %add3A_486 = vector.broadcast %add3A_485 : i32 to vector<16xi32>
      %add3A_487 = arith.addi %add3A_431, %add3A_486 : vector<16xi32>
      tpu.vector_store_idx %arg13[%add3A_487], %mul3A_484 {add = true} : memref<20480xf32, #tpu.memory_space<vmem>>[vector<16xi32>], vector<16xf32>,
      %add3A_488 = arith.constant 3 : i32
      %add3A_489 = vector.broadcast %add3A_488 : i32 to vector<16xi32>
      %add3A_490 = arith.addi %mul3A_434, %add3A_489 : vector<16xi32>
      tpu.vector_store_idx %arg14[%add3A_490], %mul3A_484 {add = true} : memref<5120xf32, #tpu.memory_space<vmem>>[vector<16xi32>], vector<16xf32>,
      %mul3A_491 = arith.constant 10 : i32
      %mul3A_492 = vector.broadcast %mul3A_491 : i32 to vector<16xi32>
      %mul3A_493 = arith.muli %gather3A_412, %mul3A_492 : vector<16xi32>
      %add3A_494 = arith.constant 4 : i32
      %add3A_495 = vector.broadcast %add3A_494 : i32 to vector<16xi32>
      %add3A_496 = arith.addi %mul3A_493, %add3A_495 : vector<16xi32>
      %gather3A_497 = tpu.vector_load_idx %arg11[%add3A_496] : memref<160xf32, #tpu.memory_space<vmem>>[vector<16xi32>], vector<16xf32>,
      %mul3A_498 = arith.mulf %gather3A_497, %div3A_424 : vector<16xf32>
      %add3A_499 = arith.constant 4 : i32
      %add3A_500 = vector.broadcast %add3A_499 : i32 to vector<16xi32>
      %add3A_501 = arith.addi %add3A_431, %add3A_500 : vector<16xi32>
      tpu.vector_store_idx %arg13[%add3A_501], %mul3A_498 {add = true} : memref<20480xf32, #tpu.memory_space<vmem>>[vector<16xi32>], vector<16xf32>,
      %add3A_502 = arith.constant 4 : i32
      %add3A_503 = vector.broadcast %add3A_502 : i32 to vector<16xi32>
      %add3A_504 = arith.addi %mul3A_434, %add3A_503 : vector<16xi32>
      tpu.vector_store_idx %arg14[%add3A_504], %mul3A_498 {add = true} : memref<5120xf32, #tpu.memory_space<vmem>>[vector<16xi32>], vector<16xf32>,
      %mul3A_505 = arith.constant 10 : i32
      %mul3A_506 = vector.broadcast %mul3A_505 : i32 to vector<16xi32>
      %mul3A_507 = arith.muli %gather3A_412, %mul3A_506 : vector<16xi32>
      %add3A_508 = arith.constant 5 : i32
      %add3A_509 = vector.broadcast %add3A_508 : i32 to vector<16xi32>
      %add3A_510 = arith.addi %mul3A_507, %add3A_509 : vector<16xi32>
      %gather3A_511 = tpu.vector_load_idx %arg11[%add3A_510] : memref<160xf32, #tpu.memory_space<vmem>>[vector<16xi32>], vector<16xf32>,
      %mul3A_512 = arith.mulf %gather3A_511, %div3A_424 : vector<16xf32>
      %add3A_513 = arith.constant 5 : i32
      %add3A_514 = vector.broadcast %add3A_513 : i32 to vector<16xi32>
      %add3A_515 = arith.addi %add3A_431, %add3A_514 : vector<16xi32>
      tpu.vector_store_idx %arg13[%add3A_515], %mul3A_512 {add = true} : memref<20480xf32, #tpu.memory_space<vmem>>[vector<16xi32>], vector<16xf32>,
      %add3A_516 = arith.constant 5 : i32
      %add3A_517 = vector.broadcast %add3A_516 : i32 to vector<16xi32>
      %add3A_518 = arith.addi %mul3A_434, %add3A_517 : vector<16xi32>
      tpu.vector_store_idx %arg14[%add3A_518], %mul3A_512 {add = true} : memref<5120xf32, #tpu.memory_space<vmem>>[vector<16xi32>], vector<16xf32>,
      %mul3A_519 = arith.constant 10 : i32
      %mul3A_520 = vector.broadcast %mul3A_519 : i32 to vector<16xi32>
      %mul3A_521 = arith.muli %gather3A_412, %mul3A_520 : vector<16xi32>
      %add3A_522 = arith.constant 6 : i32
      %add3A_523 = vector.broadcast %add3A_522 : i32 to vector<16xi32>
      %add3A_524 = arith.addi %mul3A_521, %add3A_523 : vector<16xi32>
      %gather3A_525 = tpu.vector_load_idx %arg11[%add3A_524] : memref<160xf32, #tpu.memory_space<vmem>>[vector<16xi32>], vector<16xf32>,
      %mul3A_526 = arith.mulf %gather3A_525, %div3A_424 : vector<16xf32>
      %add3A_527 = arith.constant 6 : i32
      %add3A_528 = vector.broadcast %add3A_527 : i32 to vector<16xi32>
      %add3A_529 = arith.addi %add3A_431, %add3A_528 : vector<16xi32>
      tpu.vector_store_idx %arg13[%add3A_529], %mul3A_526 {add = true} : memref<20480xf32, #tpu.memory_space<vmem>>[vector<16xi32>], vector<16xf32>,
      %add3A_530 = arith.constant 6 : i32
      %add3A_531 = vector.broadcast %add3A_530 : i32 to vector<16xi32>
      %add3A_532 = arith.addi %mul3A_434, %add3A_531 : vector<16xi32>
      tpu.vector_store_idx %arg14[%add3A_532], %mul3A_526 {add = true} : memref<5120xf32, #tpu.memory_space<vmem>>[vector<16xi32>], vector<16xf32>,
      %mul3A_533 = arith.constant 10 : i32
      %mul3A_534 = vector.broadcast %mul3A_533 : i32 to vector<16xi32>
      %mul3A_535 = arith.muli %gather3A_412, %mul3A_534 : vector<16xi32>
      %add3A_536 = arith.constant 7 : i32
      %add3A_537 = vector.broadcast %add3A_536 : i32 to vector<16xi32>
      %add3A_538 = arith.addi %mul3A_535, %add3A_537 : vector<16xi32>
      %gather3A_539 = tpu.vector_load_idx %arg11[%add3A_538] : memref<160xf32, #tpu.memory_space<vmem>>[vector<16xi32>], vector<16xf32>,
      %mul3A_540 = arith.mulf %gather3A_539, %div3A_424 : vector<16xf32>
      %add3A_541 = arith.constant 7 : i32
      %add3A_542 = vector.broadcast %add3A_541 : i32 to vector<16xi32>
      %add3A_543 = arith.addi %add3A_431, %add3A_542 : vector<16xi32>
      tpu.vector_store_idx %arg13[%add3A_543], %mul3A_540 {add = true} : memref<20480xf32, #tpu.memory_space<vmem>>[vector<16xi32>], vector<16xf32>,
      %add3A_544 = arith.constant 7 : i32
      %add3A_545 = vector.broadcast %add3A_544 : i32 to vector<16xi32>
      %add3A_546 = arith.addi %mul3A_434, %add3A_545 : vector<16xi32>
      tpu.vector_store_idx %arg14[%add3A_546], %mul3A_540 {add = true} : memref<5120xf32, #tpu.memory_space<vmem>>[vector<16xi32>], vector<16xf32>,
      %mul3A_547 = arith.constant 10 : i32
      %mul3A_548 = vector.broadcast %mul3A_547 : i32 to vector<16xi32>
      %mul3A_549 = arith.muli %gather3A_412, %mul3A_548 : vector<16xi32>
      %add3A_550 = arith.constant 8 : i32
      %add3A_551 = vector.broadcast %add3A_550 : i32 to vector<16xi32>
      %add3A_552 = arith.addi %mul3A_549, %add3A_551 : vector<16xi32>
      %gather3A_553 = tpu.vector_load_idx %arg11[%add3A_552] : memref<160xf32, #tpu.memory_space<vmem>>[vector<16xi32>], vector<16xf32>,
      %mul3A_554 = arith.mulf %gather3A_553, %div3A_424 : vector<16xf32>
      %add3A_555 = arith.constant 8 : i32
      %add3A_556 = vector.broadcast %add3A_555 : i32 to vector<16xi32>
      %add3A_557 = arith.addi %add3A_431, %add3A_556 : vector<16xi32>
      tpu.vector_store_idx %arg13[%add3A_557], %mul3A_554 {add = true} : memref<20480xf32, #tpu.memory_space<vmem>>[vector<16xi32>], vector<16xf32>,
      %add3A_558 = arith.constant 8 : i32
      %add3A_559 = vector.broadcast %add3A_558 : i32 to vector<16xi32>
      %add3A_560 = arith.addi %mul3A_434, %add3A_559 : vector<16xi32>
      tpu.vector_store_idx %arg14[%add3A_560], %mul3A_554 {add = true} : memref<5120xf32, #tpu.memory_space<vmem>>[vector<16xi32>], vector<16xf32>,
      %mul3A_561 = arith.constant 10 : i32
      %mul3A_562 = vector.broadcast %mul3A_561 : i32 to vector<16xi32>
      %mul3A_563 = arith.muli %gather3A_412, %mul3A_562 : vector<16xi32>
      %add3A_564 = arith.constant 9 : i32
      %add3A_565 = vector.broadcast %add3A_564 : i32 to vector<16xi32>
      %add3A_566 = arith.addi %mul3A_563, %add3A_565 : vector<16xi32>
      %gather3A_567 = tpu.vector_load_idx %arg11[%add3A_566] : memref<160xf32, #tpu.memory_space<vmem>>[vector<16xi32>], vector<16xf32>,
      %mul3A_568 = arith.mulf %gather3A_567, %div3A_424 : vector<16xf32>
      %add3A_569 = arith.constant 9 : i32
      %add3A_570 = vector.broadcast %add3A_569 : i32 to vector<16xi32>
      %add3A_571 = arith.addi %add3A_431, %add3A_570 : vector<16xi32>
      tpu.vector_store_idx %arg13[%add3A_571], %mul3A_568 {add = true} : memref<20480xf32, #tpu.memory_space<vmem>>[vector<16xi32>], vector<16xf32>,
      %add3A_572 = arith.constant 9 : i32
      %add3A_573 = vector.broadcast %add3A_572 : i32 to vector<16xi32>
      %add3A_574 = arith.addi %mul3A_434, %add3A_573 : vector<16xi32>
      tpu.vector_store_idx %arg14[%add3A_574], %mul3A_568 {add = true} : memref<5120xf32, #tpu.memory_space<vmem>>[vector<16xi32>], vector<16xf32>,
      %mul3A_575 = arith.constant 96 : i32
      %mul3A_576 = arith.muli %scan3A_41, %mul3A_575 : i32
      %mul3A_577 = arith.constant 6 : i32
      %mul3A_578 = vector.broadcast %mul3A_577 : i32 to vector<16xi32>
      %mul3A_579 = arith.muli %iota3A, %mul3A_578 : vector<16xi32>
      %add3A_580 = vector.broadcast %mul3A_576 : i32 to vector<16xi32>
      %add3A_581 = arith.addi %add3A_580, %mul3A_579 : vector<16xi32>
      %add3A_582 = arith.constant 3 : i32
      %add3A_583 = vector.broadcast %add3A_582 : i32 to vector<16xi32>
      %add3A_584 = arith.addi %add3A_581, %add3A_583 : vector<16xi32>
      %gather3A_585 = tpu.vector_load_idx %arg8[%add3A_584] : memref<768xi32, #tpu.memory_space<vmem>>[vector<16xi32>], vector<16xi32>,
      %sub3A_586 = vector.broadcast %mul3A_4 : i32 to vector<16xi32>
      %sub3A_587 = arith.subi %gather3A_585, %sub3A_586 : vector<16xi32>
      %gather3A_588 = tpu.vector_load_idx %arg9[%add3A_584] : memref<768xi32, #tpu.memory_space<vmem>>[vector<16xi32>], vector<16xi32>,
      %sub3A_589 = vector.broadcast %mul3A_4 : i32 to vector<16xi32>
      %sub3A_590 = arith.subi %gather3A_588, %sub3A_589 : vector<16xi32>
      %gather3A_591 = tpu.vector_load_idx %arg10[%add3A_584] : memref<768xi32, #tpu.memory_space<vmem>>[vector<16xi32>], vector<16xi32>,
      %sub3A_592 = arith.subi %sub3A_590, %sub3A_587 : vector<16xi32>
      %and3A_593 = arith.constant 3 : i32
      %and3A_594 = vector.broadcast %and3A_593 : i32 to vector<16xi32>
      %and3A_595 = arith.andi %sub3A_592, %and3A_594 : vector<16xi32>
      %mul3A_596 = arith.constant 16 : i32
      %mul3A_597 = vector.broadcast %mul3A_596 : i32 to vector<16xi32>
      %mul3A_598 = arith.muli %sub3A_590, %mul3A_597 : vector<16xi32>
      %add3A_599 = arith.addi %mul3A_598, %gather3A_591 : vector<16xi32>
      %gather3A_600 = tpu.vector_load_idx %arg12[%add3A_599] : memref<8192xf32, #tpu.memory_space<vmem>>[vector<16xi32>], vector<16xf32>,
      %div3A_601 = arith.constant 1.000000e+00 : f32
      %div3A_602 = vector.broadcast %div3A_601 : f32 to vector<16xf32>
      %div3A_603 = arith.divf %div3A_602, %gather3A_600 : vector<16xf32>
      %mul3A_604 = arith.constant 40 : i32
      %mul3A_605 = vector.broadcast %mul3A_604 : i32 to vector<16xi32>
      %mul3A_606 = arith.muli %sub3A_590, %mul3A_605 : vector<16xi32>
      %mul3A_607 = arith.constant 10 : i32
      %mul3A_608 = vector.broadcast %mul3A_607 : i32 to vector<16xi32>
      %mul3A_609 = arith.muli %and3A_595, %mul3A_608 : vector<16xi32>
      %add3A_610 = arith.addi %mul3A_606, %mul3A_609 : vector<16xi32>
      %mul3A_611 = arith.constant 10 : i32
      %mul3A_612 = vector.broadcast %mul3A_611 : i32 to vector<16xi32>
      %mul3A_613 = arith.muli %sub3A_587, %mul3A_612 : vector<16xi32>
      %mul3A_614 = arith.constant 10 : i32
      %mul3A_615 = vector.broadcast %mul3A_614 : i32 to vector<16xi32>
      %mul3A_616 = arith.muli %gather3A_591, %mul3A_615 : vector<16xi32>
      %add3A_617 = arith.constant 0 : i32
      %add3A_618 = vector.broadcast %add3A_617 : i32 to vector<16xi32>
      %add3A_619 = arith.addi %mul3A_616, %add3A_618 : vector<16xi32>
      %gather3A_620 = tpu.vector_load_idx %arg11[%add3A_619] : memref<160xf32, #tpu.memory_space<vmem>>[vector<16xi32>], vector<16xf32>,
      %mul3A_621 = arith.mulf %gather3A_620, %div3A_603 : vector<16xf32>
      %add3A_622 = arith.constant 0 : i32
      %add3A_623 = vector.broadcast %add3A_622 : i32 to vector<16xi32>
      %add3A_624 = arith.addi %add3A_610, %add3A_623 : vector<16xi32>
      tpu.vector_store_idx %arg13[%add3A_624], %mul3A_621 {add = true} : memref<20480xf32, #tpu.memory_space<vmem>>[vector<16xi32>], vector<16xf32>,
      %add3A_625 = arith.constant 0 : i32
      %add3A_626 = vector.broadcast %add3A_625 : i32 to vector<16xi32>
      %add3A_627 = arith.addi %mul3A_613, %add3A_626 : vector<16xi32>
      tpu.vector_store_idx %arg14[%add3A_627], %mul3A_621 {add = true} : memref<5120xf32, #tpu.memory_space<vmem>>[vector<16xi32>], vector<16xf32>,
      %mul3A_628 = arith.constant 10 : i32
      %mul3A_629 = vector.broadcast %mul3A_628 : i32 to vector<16xi32>
      %mul3A_630 = arith.muli %gather3A_591, %mul3A_629 : vector<16xi32>
      %add3A_631 = arith.constant 1 : i32
      %add3A_632 = vector.broadcast %add3A_631 : i32 to vector<16xi32>
      %add3A_633 = arith.addi %mul3A_630, %add3A_632 : vector<16xi32>
      %gather3A_634 = tpu.vector_load_idx %arg11[%add3A_633] : memref<160xf32, #tpu.memory_space<vmem>>[vector<16xi32>], vector<16xf32>,
      %mul3A_635 = arith.mulf %gather3A_634, %div3A_603 : vector<16xf32>
      %add3A_636 = arith.constant 1 : i32
      %add3A_637 = vector.broadcast %add3A_636 : i32 to vector<16xi32>
      %add3A_638 = arith.addi %add3A_610, %add3A_637 : vector<16xi32>
      tpu.vector_store_idx %arg13[%add3A_638], %mul3A_635 {add = true} : memref<20480xf32, #tpu.memory_space<vmem>>[vector<16xi32>], vector<16xf32>,
      %add3A_639 = arith.constant 1 : i32
      %add3A_640 = vector.broadcast %add3A_639 : i32 to vector<16xi32>
      %add3A_641 = arith.addi %mul3A_613, %add3A_640 : vector<16xi32>
      tpu.vector_store_idx %arg14[%add3A_641], %mul3A_635 {add = true} : memref<5120xf32, #tpu.memory_space<vmem>>[vector<16xi32>], vector<16xf32>,
      %mul3A_642 = arith.constant 10 : i32
      %mul3A_643 = vector.broadcast %mul3A_642 : i32 to vector<16xi32>
      %mul3A_644 = arith.muli %gather3A_591, %mul3A_643 : vector<16xi32>
      %add3A_645 = arith.constant 2 : i32
      %add3A_646 = vector.broadcast %add3A_645 : i32 to vector<16xi32>
      %add3A_647 = arith.addi %mul3A_644, %add3A_646 : vector<16xi32>
      %gather3A_648 = tpu.vector_load_idx %arg11[%add3A_647] : memref<160xf32, #tpu.memory_space<vmem>>[vector<16xi32>], vector<16xf32>,
      %mul3A_649 = arith.mulf %gather3A_648, %div3A_603 : vector<16xf32>
      %add3A_650 = arith.constant 2 : i32
      %add3A_651 = vector.broadcast %add3A_650 : i32 to vector<16xi32>
      %add3A_652 = arith.addi %add3A_610, %add3A_651 : vector<16xi32>
      tpu.vector_store_idx %arg13[%add3A_652], %mul3A_649 {add = true} : memref<20480xf32, #tpu.memory_space<vmem>>[vector<16xi32>], vector<16xf32>,
      %add3A_653 = arith.constant 2 : i32
      %add3A_654 = vector.broadcast %add3A_653 : i32 to vector<16xi32>
      %add3A_655 = arith.addi %mul3A_613, %add3A_654 : vector<16xi32>
      tpu.vector_store_idx %arg14[%add3A_655], %mul3A_649 {add = true} : memref<5120xf32, #tpu.memory_space<vmem>>[vector<16xi32>], vector<16xf32>,
      %mul3A_656 = arith.constant 10 : i32
      %mul3A_657 = vector.broadcast %mul3A_656 : i32 to vector<16xi32>
      %mul3A_658 = arith.muli %gather3A_591, %mul3A_657 : vector<16xi32>
      %add3A_659 = arith.constant 3 : i32
      %add3A_660 = vector.broadcast %add3A_659 : i32 to vector<16xi32>
      %add3A_661 = arith.addi %mul3A_658, %add3A_660 : vector<16xi32>
      %gather3A_662 = tpu.vector_load_idx %arg11[%add3A_661] : memref<160xf32, #tpu.memory_space<vmem>>[vector<16xi32>], vector<16xf32>,
      %mul3A_663 = arith.mulf %gather3A_662, %div3A_603 : vector<16xf32>
      %add3A_664 = arith.constant 3 : i32
      %add3A_665 = vector.broadcast %add3A_664 : i32 to vector<16xi32>
      %add3A_666 = arith.addi %add3A_610, %add3A_665 : vector<16xi32>
      tpu.vector_store_idx %arg13[%add3A_666], %mul3A_663 {add = true} : memref<20480xf32, #tpu.memory_space<vmem>>[vector<16xi32>], vector<16xf32>,
      %add3A_667 = arith.constant 3 : i32
      %add3A_668 = vector.broadcast %add3A_667 : i32 to vector<16xi32>
      %add3A_669 = arith.addi %mul3A_613, %add3A_668 : vector<16xi32>
      tpu.vector_store_idx %arg14[%add3A_669], %mul3A_663 {add = true} : memref<5120xf32, #tpu.memory_space<vmem>>[vector<16xi32>], vector<16xf32>,
      %mul3A_670 = arith.constant 10 : i32
      %mul3A_671 = vector.broadcast %mul3A_670 : i32 to vector<16xi32>
      %mul3A_672 = arith.muli %gather3A_591, %mul3A_671 : vector<16xi32>
      %add3A_673 = arith.constant 4 : i32
      %add3A_674 = vector.broadcast %add3A_673 : i32 to vector<16xi32>
      %add3A_675 = arith.addi %mul3A_672, %add3A_674 : vector<16xi32>
      %gather3A_676 = tpu.vector_load_idx %arg11[%add3A_675] : memref<160xf32, #tpu.memory_space<vmem>>[vector<16xi32>], vector<16xf32>,
      %mul3A_677 = arith.mulf %gather3A_676, %div3A_603 : vector<16xf32>
      %add3A_678 = arith.constant 4 : i32
      %add3A_679 = vector.broadcast %add3A_678 : i32 to vector<16xi32>
      %add3A_680 = arith.addi %add3A_610, %add3A_679 : vector<16xi32>
      tpu.vector_store_idx %arg13[%add3A_680], %mul3A_677 {add = true} : memref<20480xf32, #tpu.memory_space<vmem>>[vector<16xi32>], vector<16xf32>,
      %add3A_681 = arith.constant 4 : i32
      %add3A_682 = vector.broadcast %add3A_681 : i32 to vector<16xi32>
      %add3A_683 = arith.addi %mul3A_613, %add3A_682 : vector<16xi32>
      tpu.vector_store_idx %arg14[%add3A_683], %mul3A_677 {add = true} : memref<5120xf32, #tpu.memory_space<vmem>>[vector<16xi32>], vector<16xf32>,
      %mul3A_684 = arith.constant 10 : i32
      %mul3A_685 = vector.broadcast %mul3A_684 : i32 to vector<16xi32>
      %mul3A_686 = arith.muli %gather3A_591, %mul3A_685 : vector<16xi32>
      %add3A_687 = arith.constant 5 : i32
      %add3A_688 = vector.broadcast %add3A_687 : i32 to vector<16xi32>
      %add3A_689 = arith.addi %mul3A_686, %add3A_688 : vector<16xi32>
      %gather3A_690 = tpu.vector_load_idx %arg11[%add3A_689] : memref<160xf32, #tpu.memory_space<vmem>>[vector<16xi32>], vector<16xf32>,
      %mul3A_691 = arith.mulf %gather3A_690, %div3A_603 : vector<16xf32>
      %add3A_692 = arith.constant 5 : i32
      %add3A_693 = vector.broadcast %add3A_692 : i32 to vector<16xi32>
      %add3A_694 = arith.addi %add3A_610, %add3A_693 : vector<16xi32>
      tpu.vector_store_idx %arg13[%add3A_694], %mul3A_691 {add = true} : memref<20480xf32, #tpu.memory_space<vmem>>[vector<16xi32>], vector<16xf32>,
      %add3A_695 = arith.constant 5 : i32
      %add3A_696 = vector.broadcast %add3A_695 : i32 to vector<16xi32>
      %add3A_697 = arith.addi %mul3A_613, %add3A_696 : vector<16xi32>
      tpu.vector_store_idx %arg14[%add3A_697], %mul3A_691 {add = true} : memref<5120xf32, #tpu.memory_space<vmem>>[vector<16xi32>], vector<16xf32>,
      %mul3A_698 = arith.constant 10 : i32
      %mul3A_699 = vector.broadcast %mul3A_698 : i32 to vector<16xi32>
      %mul3A_700 = arith.muli %gather3A_591, %mul3A_699 : vector<16xi32>
      %add3A_701 = arith.constant 6 : i32
      %add3A_702 = vector.broadcast %add3A_701 : i32 to vector<16xi32>
      %add3A_703 = arith.addi %mul3A_700, %add3A_702 : vector<16xi32>
      %gather3A_704 = tpu.vector_load_idx %arg11[%add3A_703] : memref<160xf32, #tpu.memory_space<vmem>>[vector<16xi32>], vector<16xf32>,
      %mul3A_705 = arith.mulf %gather3A_704, %div3A_603 : vector<16xf32>
      %add3A_706 = arith.constant 6 : i32
      %add3A_707 = vector.broadcast %add3A_706 : i32 to vector<16xi32>
      %add3A_708 = arith.addi %add3A_610, %add3A_707 : vector<16xi32>
      tpu.vector_store_idx %arg13[%add3A_708], %mul3A_705 {add = true} : memref<20480xf32, #tpu.memory_space<vmem>>[vector<16xi32>], vector<16xf32>,
      %add3A_709 = arith.constant 6 : i32
      %add3A_710 = vector.broadcast %add3A_709 : i32 to vector<16xi32>
      %add3A_711 = arith.addi %mul3A_613, %add3A_710 : vector<16xi32>
      tpu.vector_store_idx %arg14[%add3A_711], %mul3A_705 {add = true} : memref<5120xf32, #tpu.memory_space<vmem>>[vector<16xi32>], vector<16xf32>,
      %mul3A_712 = arith.constant 10 : i32
      %mul3A_713 = vector.broadcast %mul3A_712 : i32 to vector<16xi32>
      %mul3A_714 = arith.muli %gather3A_591, %mul3A_713 : vector<16xi32>
      %add3A_715 = arith.constant 7 : i32
      %add3A_716 = vector.broadcast %add3A_715 : i32 to vector<16xi32>
      %add3A_717 = arith.addi %mul3A_714, %add3A_716 : vector<16xi32>
      %gather3A_718 = tpu.vector_load_idx %arg11[%add3A_717] : memref<160xf32, #tpu.memory_space<vmem>>[vector<16xi32>], vector<16xf32>,
      %mul3A_719 = arith.mulf %gather3A_718, %div3A_603 : vector<16xf32>
      %add3A_720 = arith.constant 7 : i32
      %add3A_721 = vector.broadcast %add3A_720 : i32 to vector<16xi32>
      %add3A_722 = arith.addi %add3A_610, %add3A_721 : vector<16xi32>
      tpu.vector_store_idx %arg13[%add3A_722], %mul3A_719 {add = true} : memref<20480xf32, #tpu.memory_space<vmem>>[vector<16xi32>], vector<16xf32>,
      %add3A_723 = arith.constant 7 : i32
      %add3A_724 = vector.broadcast %add3A_723 : i32 to vector<16xi32>
      %add3A_725 = arith.addi %mul3A_613, %add3A_724 : vector<16xi32>
      tpu.vector_store_idx %arg14[%add3A_725], %mul3A_719 {add = true} : memref<5120xf32, #tpu.memory_space<vmem>>[vector<16xi32>], vector<16xf32>,
      %mul3A_726 = arith.constant 10 : i32
      %mul3A_727 = vector.broadcast %mul3A_726 : i32 to vector<16xi32>
      %mul3A_728 = arith.muli %gather3A_591, %mul3A_727 : vector<16xi32>
      %add3A_729 = arith.constant 8 : i32
      %add3A_730 = vector.broadcast %add3A_729 : i32 to vector<16xi32>
      %add3A_731 = arith.addi %mul3A_728, %add3A_730 : vector<16xi32>
      %gather3A_732 = tpu.vector_load_idx %arg11[%add3A_731] : memref<160xf32, #tpu.memory_space<vmem>>[vector<16xi32>], vector<16xf32>,
      %mul3A_733 = arith.mulf %gather3A_732, %div3A_603 : vector<16xf32>
      %add3A_734 = arith.constant 8 : i32
      %add3A_735 = vector.broadcast %add3A_734 : i32 to vector<16xi32>
      %add3A_736 = arith.addi %add3A_610, %add3A_735 : vector<16xi32>
      tpu.vector_store_idx %arg13[%add3A_736], %mul3A_733 {add = true} : memref<20480xf32, #tpu.memory_space<vmem>>[vector<16xi32>], vector<16xf32>,
      %add3A_737 = arith.constant 8 : i32
      %add3A_738 = vector.broadcast %add3A_737 : i32 to vector<16xi32>
      %add3A_739 = arith.addi %mul3A_613, %add3A_738 : vector<16xi32>
      tpu.vector_store_idx %arg14[%add3A_739], %mul3A_733 {add = true} : memref<5120xf32, #tpu.memory_space<vmem>>[vector<16xi32>], vector<16xf32>,
      %mul3A_740 = arith.constant 10 : i32
      %mul3A_741 = vector.broadcast %mul3A_740 : i32 to vector<16xi32>
      %mul3A_742 = arith.muli %gather3A_591, %mul3A_741 : vector<16xi32>
      %add3A_743 = arith.constant 9 : i32
      %add3A_744 = vector.broadcast %add3A_743 : i32 to vector<16xi32>
      %add3A_745 = arith.addi %mul3A_742, %add3A_744 : vector<16xi32>
      %gather3A_746 = tpu.vector_load_idx %arg11[%add3A_745] : memref<160xf32, #tpu.memory_space<vmem>>[vector<16xi32>], vector<16xf32>,
      %mul3A_747 = arith.mulf %gather3A_746, %div3A_603 : vector<16xf32>
      %add3A_748 = arith.constant 9 : i32
      %add3A_749 = vector.broadcast %add3A_748 : i32 to vector<16xi32>
      %add3A_750 = arith.addi %add3A_610, %add3A_749 : vector<16xi32>
      tpu.vector_store_idx %arg13[%add3A_750], %mul3A_747 {add = true} : memref<20480xf32, #tpu.memory_space<vmem>>[vector<16xi32>], vector<16xf32>,
      %add3A_751 = arith.constant 9 : i32
      %add3A_752 = vector.broadcast %add3A_751 : i32 to vector<16xi32>
      %add3A_753 = arith.addi %mul3A_613, %add3A_752 : vector<16xi32>
      tpu.vector_store_idx %arg14[%add3A_753], %mul3A_747 {add = true} : memref<5120xf32, #tpu.memory_space<vmem>>[vector<16xi32>], vector<16xf32>,
      %mul3A_754 = arith.constant 96 : i32
      %mul3A_755 = arith.muli %scan3A_41, %mul3A_754 : i32
      %mul3A_756 = arith.constant 6 : i32
      %mul3A_757 = vector.broadcast %mul3A_756 : i32 to vector<16xi32>
      %mul3A_758 = arith.muli %iota3A, %mul3A_757 : vector<16xi32>
      %add3A_759 = vector.broadcast %mul3A_755 : i32 to vector<16xi32>
      %add3A_760 = arith.addi %add3A_759, %mul3A_758 : vector<16xi32>
      %add3A_761 = arith.constant 4 : i32
      %add3A_762 = vector.broadcast %add3A_761 : i32 to vector<16xi32>
      %add3A_763 = arith.addi %add3A_760, %add3A_762 : vector<16xi32>
      %gather3A_764 = tpu.vector_load_idx %arg8[%add3A_763] : memref<768xi32, #tpu.memory_space<vmem>>[vector<16xi32>], vector<16xi32>,
      %sub3A_765 = vector.broadcast %mul3A_4 : i32 to vector<16xi32>
      %sub3A_766 = arith.subi %gather3A_764, %sub3A_765 : vector<16xi32>
      %gather3A_767 = tpu.vector_load_idx %arg9[%add3A_763] : memref<768xi32, #tpu.memory_space<vmem>>[vector<16xi32>], vector<16xi32>,
      %sub3A_768 = vector.broadcast %mul3A_4 : i32 to vector<16xi32>
      %sub3A_769 = arith.subi %gather3A_767, %sub3A_768 : vector<16xi32>
      %gather3A_770 = tpu.vector_load_idx %arg10[%add3A_763] : memref<768xi32, #tpu.memory_space<vmem>>[vector<16xi32>], vector<16xi32>,
      %sub3A_771 = arith.subi %sub3A_769, %sub3A_766 : vector<16xi32>
      %and3A_772 = arith.constant 3 : i32
      %and3A_773 = vector.broadcast %and3A_772 : i32 to vector<16xi32>
      %and3A_774 = arith.andi %sub3A_771, %and3A_773 : vector<16xi32>
      %mul3A_775 = arith.constant 16 : i32
      %mul3A_776 = vector.broadcast %mul3A_775 : i32 to vector<16xi32>
      %mul3A_777 = arith.muli %sub3A_769, %mul3A_776 : vector<16xi32>
      %add3A_778 = arith.addi %mul3A_777, %gather3A_770 : vector<16xi32>
      %gather3A_779 = tpu.vector_load_idx %arg12[%add3A_778] : memref<8192xf32, #tpu.memory_space<vmem>>[vector<16xi32>], vector<16xf32>,
      %div3A_780 = arith.constant 1.000000e+00 : f32
      %div3A_781 = vector.broadcast %div3A_780 : f32 to vector<16xf32>
      %div3A_782 = arith.divf %div3A_781, %gather3A_779 : vector<16xf32>
      %mul3A_783 = arith.constant 40 : i32
      %mul3A_784 = vector.broadcast %mul3A_783 : i32 to vector<16xi32>
      %mul3A_785 = arith.muli %sub3A_769, %mul3A_784 : vector<16xi32>
      %mul3A_786 = arith.constant 10 : i32
      %mul3A_787 = vector.broadcast %mul3A_786 : i32 to vector<16xi32>
      %mul3A_788 = arith.muli %and3A_774, %mul3A_787 : vector<16xi32>
      %add3A_789 = arith.addi %mul3A_785, %mul3A_788 : vector<16xi32>
      %mul3A_790 = arith.constant 10 : i32
      %mul3A_791 = vector.broadcast %mul3A_790 : i32 to vector<16xi32>
      %mul3A_792 = arith.muli %sub3A_766, %mul3A_791 : vector<16xi32>
      %mul3A_793 = arith.constant 10 : i32
      %mul3A_794 = vector.broadcast %mul3A_793 : i32 to vector<16xi32>
      %mul3A_795 = arith.muli %gather3A_770, %mul3A_794 : vector<16xi32>
      %add3A_796 = arith.constant 0 : i32
      %add3A_797 = vector.broadcast %add3A_796 : i32 to vector<16xi32>
      %add3A_798 = arith.addi %mul3A_795, %add3A_797 : vector<16xi32>
      %gather3A_799 = tpu.vector_load_idx %arg11[%add3A_798] : memref<160xf32, #tpu.memory_space<vmem>>[vector<16xi32>], vector<16xf32>,
      %mul3A_800 = arith.mulf %gather3A_799, %div3A_782 : vector<16xf32>
      %add3A_801 = arith.constant 0 : i32
      %add3A_802 = vector.broadcast %add3A_801 : i32 to vector<16xi32>
      %add3A_803 = arith.addi %add3A_789, %add3A_802 : vector<16xi32>
      tpu.vector_store_idx %arg13[%add3A_803], %mul3A_800 {add = true} : memref<20480xf32, #tpu.memory_space<vmem>>[vector<16xi32>], vector<16xf32>,
      %add3A_804 = arith.constant 0 : i32
      %add3A_805 = vector.broadcast %add3A_804 : i32 to vector<16xi32>
      %add3A_806 = arith.addi %mul3A_792, %add3A_805 : vector<16xi32>
      tpu.vector_store_idx %arg14[%add3A_806], %mul3A_800 {add = true} : memref<5120xf32, #tpu.memory_space<vmem>>[vector<16xi32>], vector<16xf32>,
      %mul3A_807 = arith.constant 10 : i32
      %mul3A_808 = vector.broadcast %mul3A_807 : i32 to vector<16xi32>
      %mul3A_809 = arith.muli %gather3A_770, %mul3A_808 : vector<16xi32>
      %add3A_810 = arith.constant 1 : i32
      %add3A_811 = vector.broadcast %add3A_810 : i32 to vector<16xi32>
      %add3A_812 = arith.addi %mul3A_809, %add3A_811 : vector<16xi32>
      %gather3A_813 = tpu.vector_load_idx %arg11[%add3A_812] : memref<160xf32, #tpu.memory_space<vmem>>[vector<16xi32>], vector<16xf32>,
      %mul3A_814 = arith.mulf %gather3A_813, %div3A_782 : vector<16xf32>
      %add3A_815 = arith.constant 1 : i32
      %add3A_816 = vector.broadcast %add3A_815 : i32 to vector<16xi32>
      %add3A_817 = arith.addi %add3A_789, %add3A_816 : vector<16xi32>
      tpu.vector_store_idx %arg13[%add3A_817], %mul3A_814 {add = true} : memref<20480xf32, #tpu.memory_space<vmem>>[vector<16xi32>], vector<16xf32>,
      %add3A_818 = arith.constant 1 : i32
      %add3A_819 = vector.broadcast %add3A_818 : i32 to vector<16xi32>
      %add3A_820 = arith.addi %mul3A_792, %add3A_819 : vector<16xi32>
      tpu.vector_store_idx %arg14[%add3A_820], %mul3A_814 {add = true} : memref<5120xf32, #tpu.memory_space<vmem>>[vector<16xi32>], vector<16xf32>,
      %mul3A_821 = arith.constant 10 : i32
      %mul3A_822 = vector.broadcast %mul3A_821 : i32 to vector<16xi32>
      %mul3A_823 = arith.muli %gather3A_770, %mul3A_822 : vector<16xi32>
      %add3A_824 = arith.constant 2 : i32
      %add3A_825 = vector.broadcast %add3A_824 : i32 to vector<16xi32>
      %add3A_826 = arith.addi %mul3A_823, %add3A_825 : vector<16xi32>
      %gather3A_827 = tpu.vector_load_idx %arg11[%add3A_826] : memref<160xf32, #tpu.memory_space<vmem>>[vector<16xi32>], vector<16xf32>,
      %mul3A_828 = arith.mulf %gather3A_827, %div3A_782 : vector<16xf32>
      %add3A_829 = arith.constant 2 : i32
      %add3A_830 = vector.broadcast %add3A_829 : i32 to vector<16xi32>
      %add3A_831 = arith.addi %add3A_789, %add3A_830 : vector<16xi32>
      tpu.vector_store_idx %arg13[%add3A_831], %mul3A_828 {add = true} : memref<20480xf32, #tpu.memory_space<vmem>>[vector<16xi32>], vector<16xf32>,
      %add3A_832 = arith.constant 2 : i32
      %add3A_833 = vector.broadcast %add3A_832 : i32 to vector<16xi32>
      %add3A_834 = arith.addi %mul3A_792, %add3A_833 : vector<16xi32>
      tpu.vector_store_idx %arg14[%add3A_834], %mul3A_828 {add = true} : memref<5120xf32, #tpu.memory_space<vmem>>[vector<16xi32>], vector<16xf32>,
      %mul3A_835 = arith.constant 10 : i32
      %mul3A_836 = vector.broadcast %mul3A_835 : i32 to vector<16xi32>
      %mul3A_837 = arith.muli %gather3A_770, %mul3A_836 : vector<16xi32>
      %add3A_838 = arith.constant 3 : i32
      %add3A_839 = vector.broadcast %add3A_838 : i32 to vector<16xi32>
      %add3A_840 = arith.addi %mul3A_837, %add3A_839 : vector<16xi32>
      %gather3A_841 = tpu.vector_load_idx %arg11[%add3A_840] : memref<160xf32, #tpu.memory_space<vmem>>[vector<16xi32>], vector<16xf32>,
      %mul3A_842 = arith.mulf %gather3A_841, %div3A_782 : vector<16xf32>
      %add3A_843 = arith.constant 3 : i32
      %add3A_844 = vector.broadcast %add3A_843 : i32 to vector<16xi32>
      %add3A_845 = arith.addi %add3A_789, %add3A_844 : vector<16xi32>
      tpu.vector_store_idx %arg13[%add3A_845], %mul3A_842 {add = true} : memref<20480xf32, #tpu.memory_space<vmem>>[vector<16xi32>], vector<16xf32>,
      %add3A_846 = arith.constant 3 : i32
      %add3A_847 = vector.broadcast %add3A_846 : i32 to vector<16xi32>
      %add3A_848 = arith.addi %mul3A_792, %add3A_847 : vector<16xi32>
      tpu.vector_store_idx %arg14[%add3A_848], %mul3A_842 {add = true} : memref<5120xf32, #tpu.memory_space<vmem>>[vector<16xi32>], vector<16xf32>,
      %mul3A_849 = arith.constant 10 : i32
      %mul3A_850 = vector.broadcast %mul3A_849 : i32 to vector<16xi32>
      %mul3A_851 = arith.muli %gather3A_770, %mul3A_850 : vector<16xi32>
      %add3A_852 = arith.constant 4 : i32
      %add3A_853 = vector.broadcast %add3A_852 : i32 to vector<16xi32>
      %add3A_854 = arith.addi %mul3A_851, %add3A_853 : vector<16xi32>
      %gather3A_855 = tpu.vector_load_idx %arg11[%add3A_854] : memref<160xf32, #tpu.memory_space<vmem>>[vector<16xi32>], vector<16xf32>,
      %mul3A_856 = arith.mulf %gather3A_855, %div3A_782 : vector<16xf32>
      %add3A_857 = arith.constant 4 : i32
      %add3A_858 = vector.broadcast %add3A_857 : i32 to vector<16xi32>
      %add3A_859 = arith.addi %add3A_789, %add3A_858 : vector<16xi32>
      tpu.vector_store_idx %arg13[%add3A_859], %mul3A_856 {add = true} : memref<20480xf32, #tpu.memory_space<vmem>>[vector<16xi32>], vector<16xf32>,
      %add3A_860 = arith.constant 4 : i32
      %add3A_861 = vector.broadcast %add3A_860 : i32 to vector<16xi32>
      %add3A_862 = arith.addi %mul3A_792, %add3A_861 : vector<16xi32>
      tpu.vector_store_idx %arg14[%add3A_862], %mul3A_856 {add = true} : memref<5120xf32, #tpu.memory_space<vmem>>[vector<16xi32>], vector<16xf32>,
      %mul3A_863 = arith.constant 10 : i32
      %mul3A_864 = vector.broadcast %mul3A_863 : i32 to vector<16xi32>
      %mul3A_865 = arith.muli %gather3A_770, %mul3A_864 : vector<16xi32>
      %add3A_866 = arith.constant 5 : i32
      %add3A_867 = vector.broadcast %add3A_866 : i32 to vector<16xi32>
      %add3A_868 = arith.addi %mul3A_865, %add3A_867 : vector<16xi32>
      %gather3A_869 = tpu.vector_load_idx %arg11[%add3A_868] : memref<160xf32, #tpu.memory_space<vmem>>[vector<16xi32>], vector<16xf32>,
      %mul3A_870 = arith.mulf %gather3A_869, %div3A_782 : vector<16xf32>
      %add3A_871 = arith.constant 5 : i32
      %add3A_872 = vector.broadcast %add3A_871 : i32 to vector<16xi32>
      %add3A_873 = arith.addi %add3A_789, %add3A_872 : vector<16xi32>
      tpu.vector_store_idx %arg13[%add3A_873], %mul3A_870 {add = true} : memref<20480xf32, #tpu.memory_space<vmem>>[vector<16xi32>], vector<16xf32>,
      %add3A_874 = arith.constant 5 : i32
      %add3A_875 = vector.broadcast %add3A_874 : i32 to vector<16xi32>
      %add3A_876 = arith.addi %mul3A_792, %add3A_875 : vector<16xi32>
      tpu.vector_store_idx %arg14[%add3A_876], %mul3A_870 {add = true} : memref<5120xf32, #tpu.memory_space<vmem>>[vector<16xi32>], vector<16xf32>,
      %mul3A_877 = arith.constant 10 : i32
      %mul3A_878 = vector.broadcast %mul3A_877 : i32 to vector<16xi32>
      %mul3A_879 = arith.muli %gather3A_770, %mul3A_878 : vector<16xi32>
      %add3A_880 = arith.constant 6 : i32
      %add3A_881 = vector.broadcast %add3A_880 : i32 to vector<16xi32>
      %add3A_882 = arith.addi %mul3A_879, %add3A_881 : vector<16xi32>
      %gather3A_883 = tpu.vector_load_idx %arg11[%add3A_882] : memref<160xf32, #tpu.memory_space<vmem>>[vector<16xi32>], vector<16xf32>,
      %mul3A_884 = arith.mulf %gather3A_883, %div3A_782 : vector<16xf32>
      %add3A_885 = arith.constant 6 : i32
      %add3A_886 = vector.broadcast %add3A_885 : i32 to vector<16xi32>
      %add3A_887 = arith.addi %add3A_789, %add3A_886 : vector<16xi32>
      tpu.vector_store_idx %arg13[%add3A_887], %mul3A_884 {add = true} : memref<20480xf32, #tpu.memory_space<vmem>>[vector<16xi32>], vector<16xf32>,
      %add3A_888 = arith.constant 6 : i32
      %add3A_889 = vector.broadcast %add3A_888 : i32 to vector<16xi32>
      %add3A_890 = arith.addi %mul3A_792, %add3A_889 : vector<16xi32>
      tpu.vector_store_idx %arg14[%add3A_890], %mul3A_884 {add = true} : memref<5120xf32, #tpu.memory_space<vmem>>[vector<16xi32>], vector<16xf32>,
      %mul3A_891 = arith.constant 10 : i32
      %mul3A_892 = vector.broadcast %mul3A_891 : i32 to vector<16xi32>
      %mul3A_893 = arith.muli %gather3A_770, %mul3A_892 : vector<16xi32>
      %add3A_894 = arith.constant 7 : i32
      %add3A_895 = vector.broadcast %add3A_894 : i32 to vector<16xi32>
      %add3A_896 = arith.addi %mul3A_893, %add3A_895 : vector<16xi32>
      %gather3A_897 = tpu.vector_load_idx %arg11[%add3A_896] : memref<160xf32, #tpu.memory_space<vmem>>[vector<16xi32>], vector<16xf32>,
      %mul3A_898 = arith.mulf %gather3A_897, %div3A_782 : vector<16xf32>
      %add3A_899 = arith.constant 7 : i32
      %add3A_900 = vector.broadcast %add3A_899 : i32 to vector<16xi32>
      %add3A_901 = arith.addi %add3A_789, %add3A_900 : vector<16xi32>
      tpu.vector_store_idx %arg13[%add3A_901], %mul3A_898 {add = true} : memref<20480xf32, #tpu.memory_space<vmem>>[vector<16xi32>], vector<16xf32>,
      %add3A_902 = arith.constant 7 : i32
      %add3A_903 = vector.broadcast %add3A_902 : i32 to vector<16xi32>
      %add3A_904 = arith.addi %mul3A_792, %add3A_903 : vector<16xi32>
      tpu.vector_store_idx %arg14[%add3A_904], %mul3A_898 {add = true} : memref<5120xf32, #tpu.memory_space<vmem>>[vector<16xi32>], vector<16xf32>,
      %mul3A_905 = arith.constant 10 : i32
      %mul3A_906 = vector.broadcast %mul3A_905 : i32 to vector<16xi32>
      %mul3A_907 = arith.muli %gather3A_770, %mul3A_906 : vector<16xi32>
      %add3A_908 = arith.constant 8 : i32
      %add3A_909 = vector.broadcast %add3A_908 : i32 to vector<16xi32>
      %add3A_910 = arith.addi %mul3A_907, %add3A_909 : vector<16xi32>
      %gather3A_911 = tpu.vector_load_idx %arg11[%add3A_910] : memref<160xf32, #tpu.memory_space<vmem>>[vector<16xi32>], vector<16xf32>,
      %mul3A_912 = arith.mulf %gather3A_911, %div3A_782 : vector<16xf32>
      %add3A_913 = arith.constant 8 : i32
      %add3A_914 = vector.broadcast %add3A_913 : i32 to vector<16xi32>
      %add3A_915 = arith.addi %add3A_789, %add3A_914 : vector<16xi32>
      tpu.vector_store_idx %arg13[%add3A_915], %mul3A_912 {add = true} : memref<20480xf32, #tpu.memory_space<vmem>>[vector<16xi32>], vector<16xf32>,
      %add3A_916 = arith.constant 8 : i32
      %add3A_917 = vector.broadcast %add3A_916 : i32 to vector<16xi32>
      %add3A_918 = arith.addi %mul3A_792, %add3A_917 : vector<16xi32>
      tpu.vector_store_idx %arg14[%add3A_918], %mul3A_912 {add = true} : memref<5120xf32, #tpu.memory_space<vmem>>[vector<16xi32>], vector<16xf32>,
      %mul3A_919 = arith.constant 10 : i32
      %mul3A_920 = vector.broadcast %mul3A_919 : i32 to vector<16xi32>
      %mul3A_921 = arith.muli %gather3A_770, %mul3A_920 : vector<16xi32>
      %add3A_922 = arith.constant 9 : i32
      %add3A_923 = vector.broadcast %add3A_922 : i32 to vector<16xi32>
      %add3A_924 = arith.addi %mul3A_921, %add3A_923 : vector<16xi32>
      %gather3A_925 = tpu.vector_load_idx %arg11[%add3A_924] : memref<160xf32, #tpu.memory_space<vmem>>[vector<16xi32>], vector<16xf32>,
      %mul3A_926 = arith.mulf %gather3A_925, %div3A_782 : vector<16xf32>
      %add3A_927 = arith.constant 9 : i32
      %add3A_928 = vector.broadcast %add3A_927 : i32 to vector<16xi32>
      %add3A_929 = arith.addi %add3A_789, %add3A_928 : vector<16xi32>
      tpu.vector_store_idx %arg13[%add3A_929], %mul3A_926 {add = true} : memref<20480xf32, #tpu.memory_space<vmem>>[vector<16xi32>], vector<16xf32>,
      %add3A_930 = arith.constant 9 : i32
      %add3A_931 = vector.broadcast %add3A_930 : i32 to vector<16xi32>
      %add3A_932 = arith.addi %mul3A_792, %add3A_931 : vector<16xi32>
      tpu.vector_store_idx %arg14[%add3A_932], %mul3A_926 {add = true} : memref<5120xf32, #tpu.memory_space<vmem>>[vector<16xi32>], vector<16xf32>,
      %mul3A_933 = arith.constant 96 : i32
      %mul3A_934 = arith.muli %scan3A_41, %mul3A_933 : i32
      %mul3A_935 = arith.constant 6 : i32
      %mul3A_936 = vector.broadcast %mul3A_935 : i32 to vector<16xi32>
      %mul3A_937 = arith.muli %iota3A, %mul3A_936 : vector<16xi32>
      %add3A_938 = vector.broadcast %mul3A_934 : i32 to vector<16xi32>
      %add3A_939 = arith.addi %add3A_938, %mul3A_937 : vector<16xi32>
      %add3A_940 = arith.constant 5 : i32
      %add3A_941 = vector.broadcast %add3A_940 : i32 to vector<16xi32>
      %add3A_942 = arith.addi %add3A_939, %add3A_941 : vector<16xi32>
      %gather3A_943 = tpu.vector_load_idx %arg8[%add3A_942] : memref<768xi32, #tpu.memory_space<vmem>>[vector<16xi32>], vector<16xi32>,
      %sub3A_944 = vector.broadcast %mul3A_4 : i32 to vector<16xi32>
      %sub3A_945 = arith.subi %gather3A_943, %sub3A_944 : vector<16xi32>
      %gather3A_946 = tpu.vector_load_idx %arg9[%add3A_942] : memref<768xi32, #tpu.memory_space<vmem>>[vector<16xi32>], vector<16xi32>,
      %sub3A_947 = vector.broadcast %mul3A_4 : i32 to vector<16xi32>
      %sub3A_948 = arith.subi %gather3A_946, %sub3A_947 : vector<16xi32>
      %gather3A_949 = tpu.vector_load_idx %arg10[%add3A_942] : memref<768xi32, #tpu.memory_space<vmem>>[vector<16xi32>], vector<16xi32>,
      %sub3A_950 = arith.subi %sub3A_948, %sub3A_945 : vector<16xi32>
      %and3A_951 = arith.constant 3 : i32
      %and3A_952 = vector.broadcast %and3A_951 : i32 to vector<16xi32>
      %and3A_953 = arith.andi %sub3A_950, %and3A_952 : vector<16xi32>
      %mul3A_954 = arith.constant 16 : i32
      %mul3A_955 = vector.broadcast %mul3A_954 : i32 to vector<16xi32>
      %mul3A_956 = arith.muli %sub3A_948, %mul3A_955 : vector<16xi32>
      %add3A_957 = arith.addi %mul3A_956, %gather3A_949 : vector<16xi32>
      %gather3A_958 = tpu.vector_load_idx %arg12[%add3A_957] : memref<8192xf32, #tpu.memory_space<vmem>>[vector<16xi32>], vector<16xf32>,
      %div3A_959 = arith.constant 1.000000e+00 : f32
      %div3A_960 = vector.broadcast %div3A_959 : f32 to vector<16xf32>
      %div3A_961 = arith.divf %div3A_960, %gather3A_958 : vector<16xf32>
      %mul3A_962 = arith.constant 40 : i32
      %mul3A_963 = vector.broadcast %mul3A_962 : i32 to vector<16xi32>
      %mul3A_964 = arith.muli %sub3A_948, %mul3A_963 : vector<16xi32>
      %mul3A_965 = arith.constant 10 : i32
      %mul3A_966 = vector.broadcast %mul3A_965 : i32 to vector<16xi32>
      %mul3A_967 = arith.muli %and3A_953, %mul3A_966 : vector<16xi32>
      %add3A_968 = arith.addi %mul3A_964, %mul3A_967 : vector<16xi32>
      %mul3A_969 = arith.constant 10 : i32
      %mul3A_970 = vector.broadcast %mul3A_969 : i32 to vector<16xi32>
      %mul3A_971 = arith.muli %sub3A_945, %mul3A_970 : vector<16xi32>
      %mul3A_972 = arith.constant 10 : i32
      %mul3A_973 = vector.broadcast %mul3A_972 : i32 to vector<16xi32>
      %mul3A_974 = arith.muli %gather3A_949, %mul3A_973 : vector<16xi32>
      %add3A_975 = arith.constant 0 : i32
      %add3A_976 = vector.broadcast %add3A_975 : i32 to vector<16xi32>
      %add3A_977 = arith.addi %mul3A_974, %add3A_976 : vector<16xi32>
      %gather3A_978 = tpu.vector_load_idx %arg11[%add3A_977] : memref<160xf32, #tpu.memory_space<vmem>>[vector<16xi32>], vector<16xf32>,
      %mul3A_979 = arith.mulf %gather3A_978, %div3A_961 : vector<16xf32>
      %add3A_980 = arith.constant 0 : i32
      %add3A_981 = vector.broadcast %add3A_980 : i32 to vector<16xi32>
      %add3A_982 = arith.addi %add3A_968, %add3A_981 : vector<16xi32>
      tpu.vector_store_idx %arg13[%add3A_982], %mul3A_979 {add = true} : memref<20480xf32, #tpu.memory_space<vmem>>[vector<16xi32>], vector<16xf32>,
      %add3A_983 = arith.constant 0 : i32
      %add3A_984 = vector.broadcast %add3A_983 : i32 to vector<16xi32>
      %add3A_985 = arith.addi %mul3A_971, %add3A_984 : vector<16xi32>
      tpu.vector_store_idx %arg14[%add3A_985], %mul3A_979 {add = true} : memref<5120xf32, #tpu.memory_space<vmem>>[vector<16xi32>], vector<16xf32>,
      %mul3A_986 = arith.constant 10 : i32
      %mul3A_987 = vector.broadcast %mul3A_986 : i32 to vector<16xi32>
      %mul3A_988 = arith.muli %gather3A_949, %mul3A_987 : vector<16xi32>
      %add3A_989 = arith.constant 1 : i32
      %add3A_990 = vector.broadcast %add3A_989 : i32 to vector<16xi32>
      %add3A_991 = arith.addi %mul3A_988, %add3A_990 : vector<16xi32>
      %gather3A_992 = tpu.vector_load_idx %arg11[%add3A_991] : memref<160xf32, #tpu.memory_space<vmem>>[vector<16xi32>], vector<16xf32>,
      %mul3A_993 = arith.mulf %gather3A_992, %div3A_961 : vector<16xf32>
      %add3A_994 = arith.constant 1 : i32
      %add3A_995 = vector.broadcast %add3A_994 : i32 to vector<16xi32>
      %add3A_996 = arith.addi %add3A_968, %add3A_995 : vector<16xi32>
      tpu.vector_store_idx %arg13[%add3A_996], %mul3A_993 {add = true} : memref<20480xf32, #tpu.memory_space<vmem>>[vector<16xi32>], vector<16xf32>,
      %add3A_997 = arith.constant 1 : i32
      %add3A_998 = vector.broadcast %add3A_997 : i32 to vector<16xi32>
      %add3A_999 = arith.addi %mul3A_971, %add3A_998 : vector<16xi32>
      tpu.vector_store_idx %arg14[%add3A_999], %mul3A_993 {add = true} : memref<5120xf32, #tpu.memory_space<vmem>>[vector<16xi32>], vector<16xf32>,
      %mul3A_1000 = arith.constant 10 : i32
      %mul3A_1001 = vector.broadcast %mul3A_1000 : i32 to vector<16xi32>
      %mul3A_1002 = arith.muli %gather3A_949, %mul3A_1001 : vector<16xi32>
      %add3A_1003 = arith.constant 2 : i32
      %add3A_1004 = vector.broadcast %add3A_1003 : i32 to vector<16xi32>
      %add3A_1005 = arith.addi %mul3A_1002, %add3A_1004 : vector<16xi32>
      %gather3A_1006 = tpu.vector_load_idx %arg11[%add3A_1005] : memref<160xf32, #tpu.memory_space<vmem>>[vector<16xi32>], vector<16xf32>,
      %mul3A_1007 = arith.mulf %gather3A_1006, %div3A_961 : vector<16xf32>
      %add3A_1008 = arith.constant 2 : i32
      %add3A_1009 = vector.broadcast %add3A_1008 : i32 to vector<16xi32>
      %add3A_1010 = arith.addi %add3A_968, %add3A_1009 : vector<16xi32>
      tpu.vector_store_idx %arg13[%add3A_1010], %mul3A_1007 {add = true} : memref<20480xf32, #tpu.memory_space<vmem>>[vector<16xi32>], vector<16xf32>,
      %add3A_1011 = arith.constant 2 : i32
      %add3A_1012 = vector.broadcast %add3A_1011 : i32 to vector<16xi32>
      %add3A_1013 = arith.addi %mul3A_971, %add3A_1012 : vector<16xi32>
      tpu.vector_store_idx %arg14[%add3A_1013], %mul3A_1007 {add = true} : memref<5120xf32, #tpu.memory_space<vmem>>[vector<16xi32>], vector<16xf32>,
      %mul3A_1014 = arith.constant 10 : i32
      %mul3A_1015 = vector.broadcast %mul3A_1014 : i32 to vector<16xi32>
      %mul3A_1016 = arith.muli %gather3A_949, %mul3A_1015 : vector<16xi32>
      %add3A_1017 = arith.constant 3 : i32
      %add3A_1018 = vector.broadcast %add3A_1017 : i32 to vector<16xi32>
      %add3A_1019 = arith.addi %mul3A_1016, %add3A_1018 : vector<16xi32>
      %gather3A_1020 = tpu.vector_load_idx %arg11[%add3A_1019] : memref<160xf32, #tpu.memory_space<vmem>>[vector<16xi32>], vector<16xf32>,
      %mul3A_1021 = arith.mulf %gather3A_1020, %div3A_961 : vector<16xf32>
      %add3A_1022 = arith.constant 3 : i32
      %add3A_1023 = vector.broadcast %add3A_1022 : i32 to vector<16xi32>
      %add3A_1024 = arith.addi %add3A_968, %add3A_1023 : vector<16xi32>
      tpu.vector_store_idx %arg13[%add3A_1024], %mul3A_1021 {add = true} : memref<20480xf32, #tpu.memory_space<vmem>>[vector<16xi32>], vector<16xf32>,
      %add3A_1025 = arith.constant 3 : i32
      %add3A_1026 = vector.broadcast %add3A_1025 : i32 to vector<16xi32>
      %add3A_1027 = arith.addi %mul3A_971, %add3A_1026 : vector<16xi32>
      tpu.vector_store_idx %arg14[%add3A_1027], %mul3A_1021 {add = true} : memref<5120xf32, #tpu.memory_space<vmem>>[vector<16xi32>], vector<16xf32>,
      %mul3A_1028 = arith.constant 10 : i32
      %mul3A_1029 = vector.broadcast %mul3A_1028 : i32 to vector<16xi32>
      %mul3A_1030 = arith.muli %gather3A_949, %mul3A_1029 : vector<16xi32>
      %add3A_1031 = arith.constant 4 : i32
      %add3A_1032 = vector.broadcast %add3A_1031 : i32 to vector<16xi32>
      %add3A_1033 = arith.addi %mul3A_1030, %add3A_1032 : vector<16xi32>
      %gather3A_1034 = tpu.vector_load_idx %arg11[%add3A_1033] : memref<160xf32, #tpu.memory_space<vmem>>[vector<16xi32>], vector<16xf32>,
      %mul3A_1035 = arith.mulf %gather3A_1034, %div3A_961 : vector<16xf32>
      %add3A_1036 = arith.constant 4 : i32
      %add3A_1037 = vector.broadcast %add3A_1036 : i32 to vector<16xi32>
      %add3A_1038 = arith.addi %add3A_968, %add3A_1037 : vector<16xi32>
      tpu.vector_store_idx %arg13[%add3A_1038], %mul3A_1035 {add = true} : memref<20480xf32, #tpu.memory_space<vmem>>[vector<16xi32>], vector<16xf32>,
      %add3A_1039 = arith.constant 4 : i32
      %add3A_1040 = vector.broadcast %add3A_1039 : i32 to vector<16xi32>
      %add3A_1041 = arith.addi %mul3A_971, %add3A_1040 : vector<16xi32>
      tpu.vector_store_idx %arg14[%add3A_1041], %mul3A_1035 {add = true} : memref<5120xf32, #tpu.memory_space<vmem>>[vector<16xi32>], vector<16xf32>,
      %mul3A_1042 = arith.constant 10 : i32
      %mul3A_1043 = vector.broadcast %mul3A_1042 : i32 to vector<16xi32>
      %mul3A_1044 = arith.muli %gather3A_949, %mul3A_1043 : vector<16xi32>
      %add3A_1045 = arith.constant 5 : i32
      %add3A_1046 = vector.broadcast %add3A_1045 : i32 to vector<16xi32>
      %add3A_1047 = arith.addi %mul3A_1044, %add3A_1046 : vector<16xi32>
      %gather3A_1048 = tpu.vector_load_idx %arg11[%add3A_1047] : memref<160xf32, #tpu.memory_space<vmem>>[vector<16xi32>], vector<16xf32>,
      %mul3A_1049 = arith.mulf %gather3A_1048, %div3A_961 : vector<16xf32>
      %add3A_1050 = arith.constant 5 : i32
      %add3A_1051 = vector.broadcast %add3A_1050 : i32 to vector<16xi32>
      %add3A_1052 = arith.addi %add3A_968, %add3A_1051 : vector<16xi32>
      tpu.vector_store_idx %arg13[%add3A_1052], %mul3A_1049 {add = true} : memref<20480xf32, #tpu.memory_space<vmem>>[vector<16xi32>], vector<16xf32>,
      %add3A_1053 = arith.constant 5 : i32
      %add3A_1054 = vector.broadcast %add3A_1053 : i32 to vector<16xi32>
      %add3A_1055 = arith.addi %mul3A_971, %add3A_1054 : vector<16xi32>
      tpu.vector_store_idx %arg14[%add3A_1055], %mul3A_1049 {add = true} : memref<5120xf32, #tpu.memory_space<vmem>>[vector<16xi32>], vector<16xf32>,
      %mul3A_1056 = arith.constant 10 : i32
      %mul3A_1057 = vector.broadcast %mul3A_1056 : i32 to vector<16xi32>
      %mul3A_1058 = arith.muli %gather3A_949, %mul3A_1057 : vector<16xi32>
      %add3A_1059 = arith.constant 6 : i32
      %add3A_1060 = vector.broadcast %add3A_1059 : i32 to vector<16xi32>
      %add3A_1061 = arith.addi %mul3A_1058, %add3A_1060 : vector<16xi32>
      %gather3A_1062 = tpu.vector_load_idx %arg11[%add3A_1061] : memref<160xf32, #tpu.memory_space<vmem>>[vector<16xi32>], vector<16xf32>,
      %mul3A_1063 = arith.mulf %gather3A_1062, %div3A_961 : vector<16xf32>
      %add3A_1064 = arith.constant 6 : i32
      %add3A_1065 = vector.broadcast %add3A_1064 : i32 to vector<16xi32>
      %add3A_1066 = arith.addi %add3A_968, %add3A_1065 : vector<16xi32>
      tpu.vector_store_idx %arg13[%add3A_1066], %mul3A_1063 {add = true} : memref<20480xf32, #tpu.memory_space<vmem>>[vector<16xi32>], vector<16xf32>,
      %add3A_1067 = arith.constant 6 : i32
      %add3A_1068 = vector.broadcast %add3A_1067 : i32 to vector<16xi32>
      %add3A_1069 = arith.addi %mul3A_971, %add3A_1068 : vector<16xi32>
      tpu.vector_store_idx %arg14[%add3A_1069], %mul3A_1063 {add = true} : memref<5120xf32, #tpu.memory_space<vmem>>[vector<16xi32>], vector<16xf32>,
      %mul3A_1070 = arith.constant 10 : i32
      %mul3A_1071 = vector.broadcast %mul3A_1070 : i32 to vector<16xi32>
      %mul3A_1072 = arith.muli %gather3A_949, %mul3A_1071 : vector<16xi32>
      %add3A_1073 = arith.constant 7 : i32
      %add3A_1074 = vector.broadcast %add3A_1073 : i32 to vector<16xi32>
      %add3A_1075 = arith.addi %mul3A_1072, %add3A_1074 : vector<16xi32>
      %gather3A_1076 = tpu.vector_load_idx %arg11[%add3A_1075] : memref<160xf32, #tpu.memory_space<vmem>>[vector<16xi32>], vector<16xf32>,
      %mul3A_1077 = arith.mulf %gather3A_1076, %div3A_961 : vector<16xf32>
      %add3A_1078 = arith.constant 7 : i32
      %add3A_1079 = vector.broadcast %add3A_1078 : i32 to vector<16xi32>
      %add3A_1080 = arith.addi %add3A_968, %add3A_1079 : vector<16xi32>
      tpu.vector_store_idx %arg13[%add3A_1080], %mul3A_1077 {add = true} : memref<20480xf32, #tpu.memory_space<vmem>>[vector<16xi32>], vector<16xf32>,
      %add3A_1081 = arith.constant 7 : i32
      %add3A_1082 = vector.broadcast %add3A_1081 : i32 to vector<16xi32>
      %add3A_1083 = arith.addi %mul3A_971, %add3A_1082 : vector<16xi32>
      tpu.vector_store_idx %arg14[%add3A_1083], %mul3A_1077 {add = true} : memref<5120xf32, #tpu.memory_space<vmem>>[vector<16xi32>], vector<16xf32>,
      %mul3A_1084 = arith.constant 10 : i32
      %mul3A_1085 = vector.broadcast %mul3A_1084 : i32 to vector<16xi32>
      %mul3A_1086 = arith.muli %gather3A_949, %mul3A_1085 : vector<16xi32>
      %add3A_1087 = arith.constant 8 : i32
      %add3A_1088 = vector.broadcast %add3A_1087 : i32 to vector<16xi32>
      %add3A_1089 = arith.addi %mul3A_1086, %add3A_1088 : vector<16xi32>
      %gather3A_1090 = tpu.vector_load_idx %arg11[%add3A_1089] : memref<160xf32, #tpu.memory_space<vmem>>[vector<16xi32>], vector<16xf32>,
      %mul3A_1091 = arith.mulf %gather3A_1090, %div3A_961 : vector<16xf32>
      %add3A_1092 = arith.constant 8 : i32
      %add3A_1093 = vector.broadcast %add3A_1092 : i32 to vector<16xi32>
      %add3A_1094 = arith.addi %add3A_968, %add3A_1093 : vector<16xi32>
      tpu.vector_store_idx %arg13[%add3A_1094], %mul3A_1091 {add = true} : memref<20480xf32, #tpu.memory_space<vmem>>[vector<16xi32>], vector<16xf32>,
      %add3A_1095 = arith.constant 8 : i32
      %add3A_1096 = vector.broadcast %add3A_1095 : i32 to vector<16xi32>
      %add3A_1097 = arith.addi %mul3A_971, %add3A_1096 : vector<16xi32>
      tpu.vector_store_idx %arg14[%add3A_1097], %mul3A_1091 {add = true} : memref<5120xf32, #tpu.memory_space<vmem>>[vector<16xi32>], vector<16xf32>,
      %mul3A_1098 = arith.constant 10 : i32
      %mul3A_1099 = vector.broadcast %mul3A_1098 : i32 to vector<16xi32>
      %mul3A_1100 = arith.muli %gather3A_949, %mul3A_1099 : vector<16xi32>
      %add3A_1101 = arith.constant 9 : i32
      %add3A_1102 = vector.broadcast %add3A_1101 : i32 to vector<16xi32>
      %add3A_1103 = arith.addi %mul3A_1100, %add3A_1102 : vector<16xi32>
      %gather3A_1104 = tpu.vector_load_idx %arg11[%add3A_1103] : memref<160xf32, #tpu.memory_space<vmem>>[vector<16xi32>], vector<16xf32>,
      %mul3A_1105 = arith.mulf %gather3A_1104, %div3A_961 : vector<16xf32>
      %add3A_1106 = arith.constant 9 : i32
      %add3A_1107 = vector.broadcast %add3A_1106 : i32 to vector<16xi32>
      %add3A_1108 = arith.addi %add3A_968, %add3A_1107 : vector<16xi32>
      tpu.vector_store_idx %arg13[%add3A_1108], %mul3A_1105 {add = true} : memref<20480xf32, #tpu.memory_space<vmem>>[vector<16xi32>], vector<16xf32>,
      %add3A_1109 = arith.constant 9 : i32
      %add3A_1110 = vector.broadcast %add3A_1109 : i32 to vector<16xi32>
      %add3A_1111 = arith.addi %mul3A_971, %add3A_1110 : vector<16xi32>
      tpu.vector_store_idx %arg14[%add3A_1111], %mul3A_1105 {add = true} : memref<5120xf32, #tpu.memory_space<vmem>>[vector<16xi32>], vector<16xf32>,
    }
    %scan3A_36 = arith.constant 8 : i32
    %mul3A_37 = arith.constant 20480 : i32
    %mul3A_38 = arith.muli %add3A, %mul3A_37 : i32
    "tpu.region"() ({
      %run_scoped3A = tpu.sem_alloc : memref<!tpu.dma_semaphore, #tpu.memory_space<semaphore_mem>>
      %dma_start3A = tpu.memref_slice %arg6[%mul3A_38] : memref<655360xf32, #tpu.memory_space<hbm>> -> memref<20480xf32, #tpu.memory_space<hbm>>
      %dma_start3A_41 = tpu.memref_slice %arg6[%mul3A_38] : memref<655360xf32, #tpu.memory_space<hbm>> -> memref<20480xf32, #tpu.memory_space<hbm>>
      tpu.enqueue_dma source(%arg13 : memref<20480xf32, #tpu.memory_space<vmem>>) target(%dma_start3A_41 : memref<20480xf32, #tpu.memory_space<hbm>>) target_semaphore(%run_scoped3A : memref<!tpu.dma_semaphore, #tpu.memory_space<semaphore_mem>>)
      %dma_wait3A = tpu.memref_slice %arg6[%mul3A_38] : memref<655360xf32, #tpu.memory_space<hbm>> -> memref<20480xf32, #tpu.memory_space<hbm>>
      %dma_wait3A_42 = tpu.memref_slice %arg6[%mul3A_38] : memref<655360xf32, #tpu.memory_space<hbm>> -> memref<20480xf32, #tpu.memory_space<hbm>>
      tpu.wait_dma2 semaphore(%run_scoped3A : memref<!tpu.dma_semaphore, #tpu.memory_space<semaphore_mem>>) src(%arg13 : memref<20480xf32, #tpu.memory_space<vmem>>) dst(%dma_wait3A_42 : memref<20480xf32, #tpu.memory_space<hbm>>)
      tpu.yield
    }) : () -> ()
    %mul3A_39 = arith.constant 5120 : i32
    %mul3A_40 = arith.muli %add3A, %mul3A_39 : i32
    "tpu.region"() ({
      %run_scoped3A = tpu.sem_alloc : memref<!tpu.dma_semaphore, #tpu.memory_space<semaphore_mem>>
      %dma_start3A = tpu.memref_slice %arg7[%mul3A_40] : memref<163840xf32, #tpu.memory_space<hbm>> -> memref<5120xf32, #tpu.memory_space<hbm>>
      %dma_start3A_41 = tpu.memref_slice %arg7[%mul3A_40] : memref<163840xf32, #tpu.memory_space<hbm>> -> memref<5120xf32, #tpu.memory_space<hbm>>
      tpu.enqueue_dma source(%arg14 : memref<5120xf32, #tpu.memory_space<vmem>>) target(%dma_start3A_41 : memref<5120xf32, #tpu.memory_space<hbm>>) target_semaphore(%run_scoped3A : memref<!tpu.dma_semaphore, #tpu.memory_space<semaphore_mem>>)
      %dma_wait3A = tpu.memref_slice %arg7[%mul3A_40] : memref<163840xf32, #tpu.memory_space<hbm>> -> memref<5120xf32, #tpu.memory_space<hbm>>
      %dma_wait3A_42 = tpu.memref_slice %arg7[%mul3A_40] : memref<163840xf32, #tpu.memory_space<hbm>> -> memref<5120xf32, #tpu.memory_space<hbm>>
      tpu.wait_dma2 semaphore(%run_scoped3A : memref<!tpu.dma_semaphore, #tpu.memory_space<semaphore_mem>>) src(%arg14 : memref<5120xf32, #tpu.memory_space<vmem>>) dst(%dma_wait3A_42 : memref<5120xf32, #tpu.memory_space<hbm>>)
      tpu.yield
    }) : () -> ()
    return
  }
}

module attributes {stable_mosaic.version = 14 : i64} {
  func.func @_fused(%arg0: i32, %arg1: memref<512x40xf32, #tpu.memory_space<vmem>>, %arg2: memref<512x10xf32, #tpu.memory_space<vmem>>, %arg3: memref<512x128xf32, #tpu.memory_space<vmem>>, %arg4: memref<128x128xf32, #tpu.memory_space<vmem>>, %arg5: memref<1280x128xf32, #tpu.memory_space<vmem>>, %arg6: memref<128x128xf32, #tpu.memory_space<vmem>>, %arg7: memref<1x128xf32, #tpu.memory_space<vmem>>, %arg8: memref<40x5120xf32, #tpu.memory_space<vmem>>, %arg9: memref<1x1x128xf32, #tpu.memory_space<vmem>>) attributes {dimension_semantics = [#tpu.dimension_semantics<arbitrary>], iteration_bounds = array<i64: 32>, scalar_prefetch = 0 : i64, scratch_operands = 0 : i64, tpu.core_type = #tpu.core_type<tc>, window_params = [{transform_indices = @transform_0, window_bounds = array<i64: 512, 40>}, {transform_indices = @transform_1, window_bounds = array<i64: 512, 10>}, {transform_indices = @transform_2, window_bounds = array<i64: 512, 128>}, {transform_indices = @transform_3, window_bounds = array<i64: 128, 128>}, {pipeline_mode = #tpu.pipeline_mode<synchronous>, transform_indices = @transform_4, window_bounds = array<i64: 1280, 128>}, {pipeline_mode = #tpu.pipeline_mode<synchronous>, transform_indices = @transform_5, window_bounds = array<i64: 128, 128>}, {pipeline_mode = #tpu.pipeline_mode<synchronous>, transform_indices = @transform_6, window_bounds = array<i64: 1, 128>}, {pipeline_mode = #tpu.pipeline_mode<synchronous>, transform_indices = @transform_7, window_bounds = array<i64: 40, 5120>}, {transform_indices = @transform_8, window_bounds = array<i64: 1, 1, 128>}]} {
    %get3A = arith.constant 0 : index
    %get3A_0 = arith.constant 0 : index
    %get3A_1 = vector.load %arg1[%get3A, %get3A_0] : memref<512x40xf32, #tpu.memory_space<vmem>>, vector<512x40xf32>
    %get3A_2 = arith.constant 0 : index
    %get3A_3 = arith.constant 0 : index
    %get3A_4 = vector.load %arg8[%get3A_2, %get3A_3] : memref<40x5120xf32, #tpu.memory_space<vmem>>, vector<40x5120xf32>
    %dot_general3A = arith.constant dense<0.000000e+00> : vector<512x5120xf32>
    %dot_general3A_5 = tpu.matmul %get3A_1, %get3A_4, %dot_general3A {dimension_numbers = #tpu.dot_dimension_numbers<[1], [0], [0], [1], [0, 0, 1, 1], [], []>, transpose_lhs_hint = false} : vector<512x40xf32>, vector<40x5120xf32>, vector<512x5120xf32> -> vector<512x5120xf32>
    %get3A_6 = arith.constant 0 : index
    %get3A_7 = arith.constant 0 : index
    %get3A_8 = vector.load %arg3[%get3A_6, %get3A_7] : memref<512x128xf32, #tpu.memory_space<vmem>>, vector<512x128xf32>
    %reshape3A = vector.shape_cast %get3A_8 : vector<512x128xf32> to vector<128x4x128xf32>
    %slice3A = vector.extract_strided_slice %reshape3A {offsets = [0, 3, 0], sizes = [128, 1, 128], strides = [1, 1, 1]} : vector<128x4x128xf32> to vector<128x1x128xf32>
    %slice3A_9 = vector.extract_strided_slice %reshape3A {offsets = [0, 0, 0], sizes = [128, 3, 128], strides = [1, 1, 1]} : vector<128x4x128xf32> to vector<128x3x128xf32>
    %concatenate3A = tpu.concatenate %slice3A, %slice3A_9 in 1 : vector<128x1x128xf32>, vector<128x3x128xf32> -> vector<128x4x128xf32>
    %reshape3A_10 = vector.shape_cast %concatenate3A : vector<128x4x128xf32> to vector<512x128xf32>
    %slice3A_11 = vector.extract_strided_slice %reshape3A {offsets = [0, 2, 0], sizes = [128, 2, 128], strides = [1, 1, 1]} : vector<128x4x128xf32> to vector<128x2x128xf32>
    %slice3A_12 = vector.extract_strided_slice %reshape3A {offsets = [0, 0, 0], sizes = [128, 2, 128], strides = [1, 1, 1]} : vector<128x4x128xf32> to vector<128x2x128xf32>
    %concatenate3A_13 = tpu.concatenate %slice3A_11, %slice3A_12 in 1 : vector<128x2x128xf32>, vector<128x2x128xf32> -> vector<128x4x128xf32>
    %reshape3A_14 = vector.shape_cast %concatenate3A_13 : vector<128x4x128xf32> to vector<512x128xf32>
    %slice3A_15 = vector.extract_strided_slice %reshape3A {offsets = [0, 1, 0], sizes = [128, 3, 128], strides = [1, 1, 1]} : vector<128x4x128xf32> to vector<128x3x128xf32>
    %slice3A_16 = vector.extract_strided_slice %reshape3A {offsets = [0, 0, 0], sizes = [128, 1, 128], strides = [1, 1, 1]} : vector<128x4x128xf32> to vector<128x1x128xf32>
    %concatenate3A_17 = tpu.concatenate %slice3A_15, %slice3A_16 in 1 : vector<128x3x128xf32>, vector<128x1x128xf32> -> vector<128x4x128xf32>
    %reshape3A_18 = vector.shape_cast %concatenate3A_17 : vector<128x4x128xf32> to vector<512x128xf32>
    %get3A_19 = arith.constant 0 : index
    %get3A_20 = arith.constant 0 : index
    %get3A_21 = vector.load %arg5[%get3A_19, %get3A_20] : memref<1280x128xf32, #tpu.memory_space<vmem>>, vector<1280x128xf32>
    %get3A_22 = arith.constant 0 : index
    %get3A_23 = arith.constant 0 : index
    %get3A_24 = vector.load %arg6[%get3A_22, %get3A_23] : memref<128x128xf32, #tpu.memory_space<vmem>>, vector<128x128xf32>
    %get3A_25 = arith.constant 0 : index
    %get3A_26 = arith.constant 0 : index
    %get3A_27 = vector.load %arg7[%get3A_25, %get3A_26] : memref<1x128xf32, #tpu.memory_space<vmem>>, vector<1x128xf32>
    %slice3A_28 = vector.extract_strided_slice %dot_general3A_5 {offsets = [0, 0], sizes = [512, 128], strides = [1, 1]} : vector<512x5120xf32> to vector<512x128xf32>
    %mul3A = arith.mulf %slice3A_28, %get3A_8 : vector<512x128xf32>
    %slice3A_29 = vector.extract_strided_slice %dot_general3A_5 {offsets = [0, 1280], sizes = [512, 128], strides = [1, 1]} : vector<512x5120xf32> to vector<512x128xf32>
    %mul3A_30 = arith.mulf %slice3A_29, %reshape3A_10 : vector<512x128xf32>
    %add3A = arith.addf %mul3A, %mul3A_30 : vector<512x128xf32>
    %slice3A_31 = vector.extract_strided_slice %dot_general3A_5 {offsets = [0, 2560], sizes = [512, 128], strides = [1, 1]} : vector<512x5120xf32> to vector<512x128xf32>
    %mul3A_32 = arith.mulf %slice3A_31, %reshape3A_14 : vector<512x128xf32>
    %add3A_33 = arith.addf %add3A, %mul3A_32 : vector<512x128xf32>
    %slice3A_34 = vector.extract_strided_slice %dot_general3A_5 {offsets = [0, 3840], sizes = [512, 128], strides = [1, 1]} : vector<512x5120xf32> to vector<512x128xf32>
    %mul3A_35 = arith.mulf %slice3A_34, %reshape3A_18 : vector<512x128xf32>
    %add3A_36 = arith.addf %add3A_33, %mul3A_35 : vector<512x128xf32>
    %slice3A_37 = vector.extract_strided_slice %dot_general3A_5 {offsets = [0, 128], sizes = [512, 128], strides = [1, 1]} : vector<512x5120xf32> to vector<512x128xf32>
    %mul3A_38 = arith.mulf %slice3A_37, %get3A_8 : vector<512x128xf32>
    %slice3A_39 = vector.extract_strided_slice %dot_general3A_5 {offsets = [0, 1408], sizes = [512, 128], strides = [1, 1]} : vector<512x5120xf32> to vector<512x128xf32>
    %mul3A_40 = arith.mulf %slice3A_39, %reshape3A_10 : vector<512x128xf32>
    %add3A_41 = arith.addf %mul3A_38, %mul3A_40 : vector<512x128xf32>
    %slice3A_42 = vector.extract_strided_slice %dot_general3A_5 {offsets = [0, 2688], sizes = [512, 128], strides = [1, 1]} : vector<512x5120xf32> to vector<512x128xf32>
    %mul3A_43 = arith.mulf %slice3A_42, %reshape3A_14 : vector<512x128xf32>
    %add3A_44 = arith.addf %add3A_41, %mul3A_43 : vector<512x128xf32>
    %slice3A_45 = vector.extract_strided_slice %dot_general3A_5 {offsets = [0, 3968], sizes = [512, 128], strides = [1, 1]} : vector<512x5120xf32> to vector<512x128xf32>
    %mul3A_46 = arith.mulf %slice3A_45, %reshape3A_18 : vector<512x128xf32>
    %add3A_47 = arith.addf %add3A_44, %mul3A_46 : vector<512x128xf32>
    %slice3A_48 = vector.extract_strided_slice %dot_general3A_5 {offsets = [0, 256], sizes = [512, 128], strides = [1, 1]} : vector<512x5120xf32> to vector<512x128xf32>
    %mul3A_49 = arith.mulf %slice3A_48, %get3A_8 : vector<512x128xf32>
    %slice3A_50 = vector.extract_strided_slice %dot_general3A_5 {offsets = [0, 1536], sizes = [512, 128], strides = [1, 1]} : vector<512x5120xf32> to vector<512x128xf32>
    %mul3A_51 = arith.mulf %slice3A_50, %reshape3A_10 : vector<512x128xf32>
    %add3A_52 = arith.addf %mul3A_49, %mul3A_51 : vector<512x128xf32>
    %slice3A_53 = vector.extract_strided_slice %dot_general3A_5 {offsets = [0, 2816], sizes = [512, 128], strides = [1, 1]} : vector<512x5120xf32> to vector<512x128xf32>
    %mul3A_54 = arith.mulf %slice3A_53, %reshape3A_14 : vector<512x128xf32>
    %add3A_55 = arith.addf %add3A_52, %mul3A_54 : vector<512x128xf32>
    %slice3A_56 = vector.extract_strided_slice %dot_general3A_5 {offsets = [0, 4096], sizes = [512, 128], strides = [1, 1]} : vector<512x5120xf32> to vector<512x128xf32>
    %mul3A_57 = arith.mulf %slice3A_56, %reshape3A_18 : vector<512x128xf32>
    %add3A_58 = arith.addf %add3A_55, %mul3A_57 : vector<512x128xf32>
    %slice3A_59 = vector.extract_strided_slice %dot_general3A_5 {offsets = [0, 384], sizes = [512, 128], strides = [1, 1]} : vector<512x5120xf32> to vector<512x128xf32>
    %mul3A_60 = arith.mulf %slice3A_59, %get3A_8 : vector<512x128xf32>
    %slice3A_61 = vector.extract_strided_slice %dot_general3A_5 {offsets = [0, 1664], sizes = [512, 128], strides = [1, 1]} : vector<512x5120xf32> to vector<512x128xf32>
    %mul3A_62 = arith.mulf %slice3A_61, %reshape3A_10 : vector<512x128xf32>
    %add3A_63 = arith.addf %mul3A_60, %mul3A_62 : vector<512x128xf32>
    %slice3A_64 = vector.extract_strided_slice %dot_general3A_5 {offsets = [0, 2944], sizes = [512, 128], strides = [1, 1]} : vector<512x5120xf32> to vector<512x128xf32>
    %mul3A_65 = arith.mulf %slice3A_64, %reshape3A_14 : vector<512x128xf32>
    %add3A_66 = arith.addf %add3A_63, %mul3A_65 : vector<512x128xf32>
    %slice3A_67 = vector.extract_strided_slice %dot_general3A_5 {offsets = [0, 4224], sizes = [512, 128], strides = [1, 1]} : vector<512x5120xf32> to vector<512x128xf32>
    %mul3A_68 = arith.mulf %slice3A_67, %reshape3A_18 : vector<512x128xf32>
    %add3A_69 = arith.addf %add3A_66, %mul3A_68 : vector<512x128xf32>
    %slice3A_70 = vector.extract_strided_slice %dot_general3A_5 {offsets = [0, 512], sizes = [512, 128], strides = [1, 1]} : vector<512x5120xf32> to vector<512x128xf32>
    %mul3A_71 = arith.mulf %slice3A_70, %get3A_8 : vector<512x128xf32>
    %slice3A_72 = vector.extract_strided_slice %dot_general3A_5 {offsets = [0, 1792], sizes = [512, 128], strides = [1, 1]} : vector<512x5120xf32> to vector<512x128xf32>
    %mul3A_73 = arith.mulf %slice3A_72, %reshape3A_10 : vector<512x128xf32>
    %add3A_74 = arith.addf %mul3A_71, %mul3A_73 : vector<512x128xf32>
    %slice3A_75 = vector.extract_strided_slice %dot_general3A_5 {offsets = [0, 3072], sizes = [512, 128], strides = [1, 1]} : vector<512x5120xf32> to vector<512x128xf32>
    %mul3A_76 = arith.mulf %slice3A_75, %reshape3A_14 : vector<512x128xf32>
    %add3A_77 = arith.addf %add3A_74, %mul3A_76 : vector<512x128xf32>
    %slice3A_78 = vector.extract_strided_slice %dot_general3A_5 {offsets = [0, 4352], sizes = [512, 128], strides = [1, 1]} : vector<512x5120xf32> to vector<512x128xf32>
    %mul3A_79 = arith.mulf %slice3A_78, %reshape3A_18 : vector<512x128xf32>
    %add3A_80 = arith.addf %add3A_77, %mul3A_79 : vector<512x128xf32>
    %slice3A_81 = vector.extract_strided_slice %dot_general3A_5 {offsets = [0, 640], sizes = [512, 128], strides = [1, 1]} : vector<512x5120xf32> to vector<512x128xf32>
    %mul3A_82 = arith.mulf %slice3A_81, %get3A_8 : vector<512x128xf32>
    %slice3A_83 = vector.extract_strided_slice %dot_general3A_5 {offsets = [0, 1920], sizes = [512, 128], strides = [1, 1]} : vector<512x5120xf32> to vector<512x128xf32>
    %mul3A_84 = arith.mulf %slice3A_83, %reshape3A_10 : vector<512x128xf32>
    %add3A_85 = arith.addf %mul3A_82, %mul3A_84 : vector<512x128xf32>
    %slice3A_86 = vector.extract_strided_slice %dot_general3A_5 {offsets = [0, 3200], sizes = [512, 128], strides = [1, 1]} : vector<512x5120xf32> to vector<512x128xf32>
    %mul3A_87 = arith.mulf %slice3A_86, %reshape3A_14 : vector<512x128xf32>
    %add3A_88 = arith.addf %add3A_85, %mul3A_87 : vector<512x128xf32>
    %slice3A_89 = vector.extract_strided_slice %dot_general3A_5 {offsets = [0, 4480], sizes = [512, 128], strides = [1, 1]} : vector<512x5120xf32> to vector<512x128xf32>
    %mul3A_90 = arith.mulf %slice3A_89, %reshape3A_18 : vector<512x128xf32>
    %add3A_91 = arith.addf %add3A_88, %mul3A_90 : vector<512x128xf32>
    %slice3A_92 = vector.extract_strided_slice %dot_general3A_5 {offsets = [0, 768], sizes = [512, 128], strides = [1, 1]} : vector<512x5120xf32> to vector<512x128xf32>
    %mul3A_93 = arith.mulf %slice3A_92, %get3A_8 : vector<512x128xf32>
    %slice3A_94 = vector.extract_strided_slice %dot_general3A_5 {offsets = [0, 2048], sizes = [512, 128], strides = [1, 1]} : vector<512x5120xf32> to vector<512x128xf32>
    %mul3A_95 = arith.mulf %slice3A_94, %reshape3A_10 : vector<512x128xf32>
    %add3A_96 = arith.addf %mul3A_93, %mul3A_95 : vector<512x128xf32>
    %slice3A_97 = vector.extract_strided_slice %dot_general3A_5 {offsets = [0, 3328], sizes = [512, 128], strides = [1, 1]} : vector<512x5120xf32> to vector<512x128xf32>
    %mul3A_98 = arith.mulf %slice3A_97, %reshape3A_14 : vector<512x128xf32>
    %add3A_99 = arith.addf %add3A_96, %mul3A_98 : vector<512x128xf32>
    %slice3A_100 = vector.extract_strided_slice %dot_general3A_5 {offsets = [0, 4608], sizes = [512, 128], strides = [1, 1]} : vector<512x5120xf32> to vector<512x128xf32>
    %mul3A_101 = arith.mulf %slice3A_100, %reshape3A_18 : vector<512x128xf32>
    %add3A_102 = arith.addf %add3A_99, %mul3A_101 : vector<512x128xf32>
    %slice3A_103 = vector.extract_strided_slice %dot_general3A_5 {offsets = [0, 896], sizes = [512, 128], strides = [1, 1]} : vector<512x5120xf32> to vector<512x128xf32>
    %mul3A_104 = arith.mulf %slice3A_103, %get3A_8 : vector<512x128xf32>
    %slice3A_105 = vector.extract_strided_slice %dot_general3A_5 {offsets = [0, 2176], sizes = [512, 128], strides = [1, 1]} : vector<512x5120xf32> to vector<512x128xf32>
    %mul3A_106 = arith.mulf %slice3A_105, %reshape3A_10 : vector<512x128xf32>
    %add3A_107 = arith.addf %mul3A_104, %mul3A_106 : vector<512x128xf32>
    %slice3A_108 = vector.extract_strided_slice %dot_general3A_5 {offsets = [0, 3456], sizes = [512, 128], strides = [1, 1]} : vector<512x5120xf32> to vector<512x128xf32>
    %mul3A_109 = arith.mulf %slice3A_108, %reshape3A_14 : vector<512x128xf32>
    %add3A_110 = arith.addf %add3A_107, %mul3A_109 : vector<512x128xf32>
    %slice3A_111 = vector.extract_strided_slice %dot_general3A_5 {offsets = [0, 4736], sizes = [512, 128], strides = [1, 1]} : vector<512x5120xf32> to vector<512x128xf32>
    %mul3A_112 = arith.mulf %slice3A_111, %reshape3A_18 : vector<512x128xf32>
    %add3A_113 = arith.addf %add3A_110, %mul3A_112 : vector<512x128xf32>
    %slice3A_114 = vector.extract_strided_slice %dot_general3A_5 {offsets = [0, 1024], sizes = [512, 128], strides = [1, 1]} : vector<512x5120xf32> to vector<512x128xf32>
    %mul3A_115 = arith.mulf %slice3A_114, %get3A_8 : vector<512x128xf32>
    %slice3A_116 = vector.extract_strided_slice %dot_general3A_5 {offsets = [0, 2304], sizes = [512, 128], strides = [1, 1]} : vector<512x5120xf32> to vector<512x128xf32>
    %mul3A_117 = arith.mulf %slice3A_116, %reshape3A_10 : vector<512x128xf32>
    %add3A_118 = arith.addf %mul3A_115, %mul3A_117 : vector<512x128xf32>
    %slice3A_119 = vector.extract_strided_slice %dot_general3A_5 {offsets = [0, 3584], sizes = [512, 128], strides = [1, 1]} : vector<512x5120xf32> to vector<512x128xf32>
    %mul3A_120 = arith.mulf %slice3A_119, %reshape3A_14 : vector<512x128xf32>
    %add3A_121 = arith.addf %add3A_118, %mul3A_120 : vector<512x128xf32>
    %slice3A_122 = vector.extract_strided_slice %dot_general3A_5 {offsets = [0, 4864], sizes = [512, 128], strides = [1, 1]} : vector<512x5120xf32> to vector<512x128xf32>
    %mul3A_123 = arith.mulf %slice3A_122, %reshape3A_18 : vector<512x128xf32>
    %add3A_124 = arith.addf %add3A_121, %mul3A_123 : vector<512x128xf32>
    %slice3A_125 = vector.extract_strided_slice %dot_general3A_5 {offsets = [0, 1152], sizes = [512, 128], strides = [1, 1]} : vector<512x5120xf32> to vector<512x128xf32>
    %mul3A_126 = arith.mulf %slice3A_125, %get3A_8 : vector<512x128xf32>
    %slice3A_127 = vector.extract_strided_slice %dot_general3A_5 {offsets = [0, 2432], sizes = [512, 128], strides = [1, 1]} : vector<512x5120xf32> to vector<512x128xf32>
    %mul3A_128 = arith.mulf %slice3A_127, %reshape3A_10 : vector<512x128xf32>
    %add3A_129 = arith.addf %mul3A_126, %mul3A_128 : vector<512x128xf32>
    %slice3A_130 = vector.extract_strided_slice %dot_general3A_5 {offsets = [0, 3712], sizes = [512, 128], strides = [1, 1]} : vector<512x5120xf32> to vector<512x128xf32>
    %mul3A_131 = arith.mulf %slice3A_130, %reshape3A_14 : vector<512x128xf32>
    %add3A_132 = arith.addf %add3A_129, %mul3A_131 : vector<512x128xf32>
    %slice3A_133 = vector.extract_strided_slice %dot_general3A_5 {offsets = [0, 4992], sizes = [512, 128], strides = [1, 1]} : vector<512x5120xf32> to vector<512x128xf32>
    %mul3A_134 = arith.mulf %slice3A_133, %reshape3A_18 : vector<512x128xf32>
    %add3A_135 = arith.addf %add3A_132, %mul3A_134 : vector<512x128xf32>
    %concatenate3A_136 = tpu.concatenate %add3A_36, %add3A_47, %add3A_58, %add3A_69, %add3A_80, %add3A_91, %add3A_102, %add3A_113, %add3A_124, %add3A_135 in 1 : vector<512x128xf32>, vector<512x128xf32>, vector<512x128xf32>, vector<512x128xf32>, vector<512x128xf32>, vector<512x128xf32>, vector<512x128xf32>, vector<512x128xf32>, vector<512x128xf32>, vector<512x128xf32> -> vector<512x1280xf32>
    %dot_general3A_137 = arith.constant dense<0.000000e+00> : vector<512x128xf32>
    %dot_general3A_138 = tpu.matmul %concatenate3A_136, %get3A_21, %dot_general3A_137 {dimension_numbers = #tpu.dot_dimension_numbers<[1], [0], [0], [1], [0, 0, 1, 1], [], []>, transpose_lhs_hint = false} : vector<512x1280xf32>, vector<1280x128xf32>, vector<512x128xf32> -> vector<512x128xf32>
    %dot_general3A_139 = arith.constant dense<0.000000e+00> : vector<512x128xf32>
    %dot_general3A_140 = tpu.matmul %get3A_8, %get3A_24, %dot_general3A_139 {dimension_numbers = #tpu.dot_dimension_numbers<[1], [0], [0], [1], [0, 0, 1, 1], [], []>, transpose_lhs_hint = false} : vector<512x128xf32>, vector<128x128xf32>, vector<512x128xf32> -> vector<512x128xf32>
    %add3A_141 = arith.addf %dot_general3A_138, %dot_general3A_140 : vector<512x128xf32>
    %add3A_142 = vector.broadcast %get3A_27 : vector<1x128xf32> to vector<512x128xf32>
    %add3A_143 = arith.addf %add3A_141, %add3A_142 : vector<512x128xf32>
    %max3A = arith.constant 0.000000e+00 : f32
    %max3A_144 = vector.broadcast %max3A : f32 to vector<512x128xf32>
    %max3A_145 = arith.maximumf %add3A_143, %max3A_144 : vector<512x128xf32>
    %get3A_146 = arith.constant 0 : index
    %get3A_147 = arith.constant 0 : index
    %get3A_148 = vector.load %arg2[%get3A_146, %get3A_147] : memref<512x10xf32, #tpu.memory_space<vmem>>, vector<512x10xf32>
    %get3A_149 = arith.constant 0 : index
    %get3A_150 = arith.constant 0 : index
    %get3A_151 = vector.load %arg8[%get3A_149, %get3A_150] : memref<40x5120xf32, #tpu.memory_space<vmem>>, vector<10x1280xf32>
    %dot_general3A_152 = arith.constant dense<0.000000e+00> : vector<512x1280xf32>
    %dot_general3A_153 = tpu.matmul %get3A_148, %get3A_151, %dot_general3A_152 {dimension_numbers = #tpu.dot_dimension_numbers<[1], [0], [0], [1], [0, 0, 1, 1], [], []>, transpose_lhs_hint = false} : vector<512x10xf32>, vector<10x1280xf32>, vector<512x1280xf32> -> vector<512x1280xf32>
    %slice3A_154 = vector.extract_strided_slice %dot_general3A_153 {offsets = [0, 0], sizes = [512, 128], strides = [1, 1]} : vector<512x1280xf32> to vector<512x128xf32>
    %mul3A_155 = arith.mulf %slice3A_154, %max3A_145 : vector<512x128xf32>
    %slice3A_156 = vector.extract_strided_slice %dot_general3A_153 {offsets = [0, 128], sizes = [512, 128], strides = [1, 1]} : vector<512x1280xf32> to vector<512x128xf32>
    %mul3A_157 = arith.mulf %slice3A_156, %max3A_145 : vector<512x128xf32>
    %slice3A_158 = vector.extract_strided_slice %dot_general3A_153 {offsets = [0, 256], sizes = [512, 128], strides = [1, 1]} : vector<512x1280xf32> to vector<512x128xf32>
    %mul3A_159 = arith.mulf %slice3A_158, %max3A_145 : vector<512x128xf32>
    %slice3A_160 = vector.extract_strided_slice %dot_general3A_153 {offsets = [0, 384], sizes = [512, 128], strides = [1, 1]} : vector<512x1280xf32> to vector<512x128xf32>
    %mul3A_161 = arith.mulf %slice3A_160, %max3A_145 : vector<512x128xf32>
    %slice3A_162 = vector.extract_strided_slice %dot_general3A_153 {offsets = [0, 512], sizes = [512, 128], strides = [1, 1]} : vector<512x1280xf32> to vector<512x128xf32>
    %mul3A_163 = arith.mulf %slice3A_162, %max3A_145 : vector<512x128xf32>
    %slice3A_164 = vector.extract_strided_slice %dot_general3A_153 {offsets = [0, 640], sizes = [512, 128], strides = [1, 1]} : vector<512x1280xf32> to vector<512x128xf32>
    %mul3A_165 = arith.mulf %slice3A_164, %max3A_145 : vector<512x128xf32>
    %slice3A_166 = vector.extract_strided_slice %dot_general3A_153 {offsets = [0, 768], sizes = [512, 128], strides = [1, 1]} : vector<512x1280xf32> to vector<512x128xf32>
    %mul3A_167 = arith.mulf %slice3A_166, %max3A_145 : vector<512x128xf32>
    %slice3A_168 = vector.extract_strided_slice %dot_general3A_153 {offsets = [0, 896], sizes = [512, 128], strides = [1, 1]} : vector<512x1280xf32> to vector<512x128xf32>
    %mul3A_169 = arith.mulf %slice3A_168, %max3A_145 : vector<512x128xf32>
    %slice3A_170 = vector.extract_strided_slice %dot_general3A_153 {offsets = [0, 1024], sizes = [512, 128], strides = [1, 1]} : vector<512x1280xf32> to vector<512x128xf32>
    %mul3A_171 = arith.mulf %slice3A_170, %max3A_145 : vector<512x128xf32>
    %slice3A_172 = vector.extract_strided_slice %dot_general3A_153 {offsets = [0, 1152], sizes = [512, 128], strides = [1, 1]} : vector<512x1280xf32> to vector<512x128xf32>
    %mul3A_173 = arith.mulf %slice3A_172, %max3A_145 : vector<512x128xf32>
    %concatenate3A_174 = tpu.concatenate %mul3A_155, %mul3A_157, %mul3A_159, %mul3A_161, %mul3A_163, %mul3A_165, %mul3A_167, %mul3A_169, %mul3A_171, %mul3A_173 in 1 : vector<512x128xf32>, vector<512x128xf32>, vector<512x128xf32>, vector<512x128xf32>, vector<512x128xf32>, vector<512x128xf32>, vector<512x128xf32>, vector<512x128xf32>, vector<512x128xf32>, vector<512x128xf32> -> vector<512x1280xf32>
    %iota3A = tpu.iota {dimensions = array<i32: 0>} : vector<128x512xi32>
    %iota3A_175 = tpu.iota {dimensions = array<i32: 1>} : vector<128x512xi32>
    %jit3A = arith.constant 4 : i32
    %div3A = vector.broadcast %jit3A : i32 to vector<128x512xi32>
    %div3A_176 = arith.divsi %iota3A_175, %div3A : vector<128x512xi32>
    %sign3A = arith.constant 0 : i32
    %sign3A_177 = vector.broadcast %sign3A : i32 to vector<128x512xi32>
    %sign3A_178 = arith.cmpi sgt, %iota3A_175, %sign3A_177 : vector<128x512xi32>
    %sign3A_179 = arith.extui %sign3A_178 : vector<128x512xi1> to vector<128x512xi32>
    %sign3A_180 = arith.constant 0 : i32
    %sign3A_181 = vector.broadcast %sign3A_180 : i32 to vector<128x512xi32>
    %sign3A_182 = arith.cmpi slt, %iota3A_175, %sign3A_181 : vector<128x512xi32>
    %sign3A_183 = arith.extui %sign3A_182 : vector<128x512xi1> to vector<128x512xi32>
    %sign3A_184 = arith.subi %sign3A_179, %sign3A_183 : vector<128x512xi32>
    %sign3A_185 = arith.constant 0 : i32
    %sign3A_186 = arith.cmpi sgt, %jit3A, %sign3A_185 : i32
    %sign3A_187 = arith.extui %sign3A_186 : i1 to i32
    %sign3A_188 = arith.constant 0 : i32
    %sign3A_189 = arith.cmpi slt, %jit3A, %sign3A_188 : i32
    %sign3A_190 = arith.extui %sign3A_189 : i1 to i32
    %sign3A_191 = arith.subi %sign3A_187, %sign3A_190 : i32
    %ne3A = vector.broadcast %sign3A_191 : i32 to vector<128x512xi32>
    %ne3A_192 = arith.cmpi ne, %sign3A_184, %ne3A : vector<128x512xi32>
    %rem3A = vector.broadcast %jit3A : i32 to vector<128x512xi32>
    %rem3A_193 = arith.remsi %iota3A_175, %rem3A : vector<128x512xi32>
    %ne3A_194 = arith.constant 0 : i32
    %ne3A_195 = vector.broadcast %ne3A_194 : i32 to vector<128x512xi32>
    %ne3A_196 = arith.cmpi ne, %rem3A_193, %ne3A_195 : vector<128x512xi32>
    %and3A = arith.andi %ne3A_192, %ne3A_196 : vector<128x512xi1>
    %sub3A = arith.constant 1 : i32
    %sub3A_197 = vector.broadcast %sub3A : i32 to vector<128x512xi32>
    %sub3A_198 = arith.subi %div3A_176, %sub3A_197 : vector<128x512xi32>
    %select_n3A = arith.select %and3A, %sub3A_198, %div3A_176 : vector<128x512xi1>, vector<128x512xi32>
    %eq3A = arith.cmpi eq, %iota3A, %select_n3A : vector<128x512xi32>
    %convert_element_type3A = arith.extui %eq3A : vector<128x512xi1> to vector<128x512xi32>
    %convert_element_type3A_199 = arith.sitofp %convert_element_type3A : vector<128x512xi32> to vector<128x512xf32>
    %dot_general3A_200 = arith.constant dense<0.000000e+00> : vector<128x1280xf32>
    %dot_general3A_201 = tpu.matmul %convert_element_type3A_199, %concatenate3A_174, %dot_general3A_200 {dimension_numbers = #tpu.dot_dimension_numbers<[1], [0], [0], [1], [0, 0, 1, 1], [], []>, transpose_lhs_hint = false} : vector<128x512xf32>, vector<512x1280xf32>, vector<128x1280xf32> -> vector<128x1280xf32>
    %dot_general3A_202 = arith.constant dense<0.000000e+00> : vector<128x128xf32>
    %dot_general3A_203 = tpu.matmul %convert_element_type3A_199, %max3A_145, %dot_general3A_202 {dimension_numbers = #tpu.dot_dimension_numbers<[1], [0], [0], [1], [0, 0, 1, 1], [], []>, transpose_lhs_hint = false} : vector<128x512xf32>, vector<512x128xf32>, vector<128x128xf32> -> vector<128x128xf32>
    %dot_general3A_204 = arith.constant dense<0.000000e+00> : vector<128x128xf32>
    %dot_general3A_205 = tpu.matmul %dot_general3A_201, %get3A_21, %dot_general3A_204 {dimension_numbers = #tpu.dot_dimension_numbers<[1], [0], [0], [1], [0, 0, 1, 1], [], []>, transpose_lhs_hint = false} : vector<128x1280xf32>, vector<1280x128xf32>, vector<128x128xf32> -> vector<128x128xf32>
    %dot_general3A_206 = arith.constant dense<0.000000e+00> : vector<128x128xf32>
    %dot_general3A_207 = tpu.matmul %dot_general3A_203, %get3A_24, %dot_general3A_206 {dimension_numbers = #tpu.dot_dimension_numbers<[1], [0], [0], [1], [0, 0, 1, 1], [], []>, transpose_lhs_hint = false} : vector<128x128xf32>, vector<128x128xf32>, vector<128x128xf32> -> vector<128x128xf32>
    %add3A_208 = arith.addf %dot_general3A_205, %dot_general3A_207 : vector<128x128xf32>
    %mul3A_209 = arith.constant 4.000000e+00 : f32
    %mul3A_210 = vector.broadcast %mul3A_209 : f32 to vector<1x128xf32>
    %mul3A_211 = arith.mulf %mul3A_210, %get3A_27 : vector<1x128xf32>
    %add3A_212 = vector.broadcast %mul3A_211 : vector<1x128xf32> to vector<128x128xf32>
    %add3A_213 = arith.addf %add3A_208, %add3A_212 : vector<128x128xf32>
    %get3A_214 = arith.constant 0 : index
    %get3A_215 = arith.constant 0 : index
    %get3A_216 = vector.load %arg4[%get3A_214, %get3A_215] : memref<128x128xf32, #tpu.memory_space<vmem>>, vector<128x128xf32>
    %mul3A_217 = arith.mulf %add3A_213, %get3A_216 : vector<128x128xf32>
    %reduce_sum3A = arith.constant dense<0.000000e+00> : vector<128xf32>
    %reduce_sum3A_218 = vector.multi_reduction <add>, %mul3A_217, %reduce_sum3A [1] : vector<128x128xf32> to vector<128xf32>
    %mul3A_219 = arith.mulf %add3A_213, %add3A_213 : vector<128x128xf32>
    %reduce_sum3A_220 = arith.constant dense<0.000000e+00> : vector<128xf32>
    %reduce_sum3A_221 = vector.multi_reduction <add>, %mul3A_219, %reduce_sum3A_220 [1] : vector<128x128xf32> to vector<128xf32>
    %sqrt3A = math.sqrt %reduce_sum3A_221 : vector<128xf32>
    %mul3A_222 = arith.mulf %get3A_216, %get3A_216 : vector<128x128xf32>
    %reduce_sum3A_223 = arith.constant dense<0.000000e+00> : vector<128xf32>
    %reduce_sum3A_224 = vector.multi_reduction <add>, %mul3A_222, %reduce_sum3A_223 [1] : vector<128x128xf32> to vector<128xf32>
    %sqrt3A_225 = math.sqrt %reduce_sum3A_224 : vector<128xf32>
    %mul3A_226 = arith.mulf %sqrt3A, %sqrt3A_225 : vector<128xf32>
    %max3A_227 = arith.constant 9.99999993E-9 : f32
    %max3A_228 = vector.broadcast %max3A_227 : f32 to vector<128xf32>
    %max3A_229 = arith.maximumf %mul3A_226, %max3A_228 : vector<128xf32>
    %div3A_230 = arith.divf %reduce_sum3A_218, %max3A_229 : vector<128xf32>
    %swap3A = arith.constant 0 : index
    %swap3A_231 = arith.constant 0 : index
    %swap3A_232 = arith.constant 0 : index
    %swap3A_233 = vector.load %arg9[%swap3A, %swap3A_231, %swap3A_232] : memref<1x1x128xf32, #tpu.memory_space<vmem>>, vector<1x1x128xf32>
    %swap3A_234 = vector.shape_cast %swap3A_233 : vector<1x1x128xf32> to vector<128xf32>
    %swap3A_235 = vector.shape_cast %div3A_230 : vector<128xf32> to vector<1x1x128xf32>
    tpu.vector_store %arg9[%swap3A, %swap3A_231, %swap3A_232], %swap3A_235 {strides = array<i32>} : memref<1x1x128xf32, #tpu.memory_space<vmem>>, vector<1x1x128xf32>,
    return
  }
  func.func @transform_0(%arg0: i32) -> (i32, i32) {
    %c0_i32 = arith.constant 0 : i32
    %c0_i32_0 = arith.constant 0 : i32
    return %arg0, %c0_i32 : i32, i32
  }
  func.func @transform_1(%arg0: i32) -> (i32, i32) {
    %c0_i32 = arith.constant 0 : i32
    %c0_i32_0 = arith.constant 0 : i32
    return %arg0, %c0_i32 : i32, i32
  }
  func.func @transform_2(%arg0: i32) -> (i32, i32) {
    %c0_i32 = arith.constant 0 : i32
    %c0_i32_0 = arith.constant 0 : i32
    return %arg0, %c0_i32 : i32, i32
  }
  func.func @transform_3(%arg0: i32) -> (i32, i32) {
    %c0_i32 = arith.constant 0 : i32
    %c0_i32_0 = arith.constant 0 : i32
    return %arg0, %c0_i32 : i32, i32
  }
  func.func @transform_4(%arg0: i32) -> (i32, i32) {
    %c0_i32 = arith.constant 0 : i32
    %c0_i32_0 = arith.constant 0 : i32
    %c0_i32_1 = arith.constant 0 : i32
    return %c0_i32, %c0_i32_0 : i32, i32
  }
  func.func @transform_5(%arg0: i32) -> (i32, i32) {
    %c0_i32 = arith.constant 0 : i32
    %c0_i32_0 = arith.constant 0 : i32
    %c0_i32_1 = arith.constant 0 : i32
    return %c0_i32, %c0_i32_0 : i32, i32
  }
  func.func @transform_6(%arg0: i32) -> (i32, i32) {
    %c0_i32 = arith.constant 0 : i32
    %c0_i32_0 = arith.constant 0 : i32
    %c0_i32_1 = arith.constant 0 : i32
    return %c0_i32, %c0_i32_0 : i32, i32
  }
  func.func @transform_7(%arg0: i32) -> (i32, i32) {
    %c0_i32 = arith.constant 0 : i32
    %c0_i32_0 = arith.constant 0 : i32
    %c0_i32_1 = arith.constant 0 : i32
    return %c0_i32, %c0_i32_0 : i32, i32
  }
  func.func @transform_8(%arg0: i32) -> (i32, i32, i32) {
    %c0_i32 = arith.constant 0 : i32
    %c0_i32_0 = arith.constant 0 : i32
    %c0_i32_1 = arith.constant 0 : i32
    return %arg0, %c0_i32, %c0_i32_0 : i32, i32, i32
  }
}

</mosaic_0001>

<sc_bundles>
// kernel: kernel.4.cloned.1.call-start
scs
__scs_entry_jumppad:
0x0: {  	(pc) =	sbr.rel $0x88, $3  }
0x1: {  	(tag) =	ssettag $0x0;
	lr =	simm.s32 $0x1  }
0x2: {  	[smem:$0x3F99] =	sst lr;
	_ =	strace $0xD0000000  }
0x3: {  	_ = 	snop  }
0x4: {  	_ = 	snop  }
0x5: {  	_ = 	snop  }
0x6: {  	_ = 	snop  }
0x7: {  	_ = 	snop  }
__scs_overlays_trampoline_lowered:
0x8: {  	[smem:$0x3FA8] =	sst s0  }
0x9: {  	[smem:$0x3FA9] =	sst s1  }
0xa: {  	[smem:$0x3FAA] =	sst s2  }
0xb: {  	[smem:$0x3FAB] =	sst s3  }
0xc: {  	[smem:$0x3FAC] =	sst s4  }
0xd: {  	[smem:$0x3FAD] =	sst s5  }
0xe: {  	[smem:$0x3FAE] =	sst s6  }
0xf: {  	[smem:$0x3FAF] =	sst s7  }
0x10: {  	[smem:$0x3FB0] =	sst s8  }
0x11: {  	[smem:$0x3FB1] =	sst s9;
	s0 =	simm.s32 @!p0 $0x0  }
0x12: {  	s1 =	sld [smem:$0x3F97];
	s0 =	simm.s32 @p0 $0x1  }
0x13: {  	[smem:$0x3FB2] =	sst s0;
	s0 =	simm.s32 @!p1 $0x0  }
0x14: {  	s2 =	sld [smem:$0x3F96];
	s0 =	simm.s32 @p1 $0x1  }
0x15: {  	[smem:$0x3FB3] =	sst s0;
	s0 =	simm.s32 @!p2 $0x0  }
0x16: {  	s3 =	sld [smem:$0x3FDB];
	s0 =	simm.s32 @p2 $0x1  }
0x17: {  	s4 =	simm.s32 $0x1BF5;
	[smem:$0x3FB5] =	sst s0  }
0x18: {  	s0 =	sld [smem:$0x3F98];
	_ =	swait.ge [sflag:s4], $0x0  }
0x19: {  	s7 =	sld [smem:$0x3F99]  }
0x1a: {  	s8 =	sadd.s32 $0xFFFFE003, lr  }
0x1b: {  	s9 =	sadd.s32 $0xFFFFFEF7, lr;
	s5 =	simm.s32 $0xFFFFFFFF;
	p2 =	slt.u32 s8, $0xFFFFF086  }
0x1c: {  	p1 =	slt.u32 s9, $0xF7A;
	s5 =	simm.s32 @!p2 $0x0  }
0x1d: {  	s5 =	simm.s32 @p1 $0x1;
	p0 =	seq.s32 s7, s2  }
0x1e: {  	s7 =	smul.u32 @!p0 $0xF7A, s2;
	p2 =	seq.s32 @!p0 s5, $0x0  }
0x1f: {  	s9 =	smul.u32 $0xF7A, s1;
	s8 =	simm.s32 @!p0 $0x1BF5;
	p2 =	por !p2, p0  }
0x20: {  	[sflag:s8] =	ssyncset.s32 @!p0 $0xFFFFF086;
	s6 =	sadd.s32 @!p0 s3, s7;
	s7 =	simm.s32 @!p0 $0x108  }
0x21: {  	s3 =	sadd.s32 s3, s9;
	s6 =	sadd.s32 @!p0 $0x88, s6;
	s7 =	simm.s32 @p2 $0x1082  }
0x22: {  	[simem:s7], [sflag:s8] =	dma.local @!p0 [hbm:s6], $0xF7A  }
0x23: {  	s9 =	sor.u32 $0xD0000000, s2;
	s6 =	simm.s32 $0x108;
	_ =	swait.ge @!p0 [sflag:s8], $0x0  }
0x24: {  	s3 =	sadd.s32 $0x88, s3;
	s6 =	simm.s32 @!p1 $0x1082;
	[sflag:s4] =	ssyncset.s32 $0xFFFFF086  }
0x25: {  	[simem:s6], [sflag:s4] =	dma.local [hbm:s3], $0xF7A  }
0x26: {  	[smem:$0x3F99] =	sst s1;
	(tag) =	ssettag s2;
	_ =	strace s9  }
0x27: {  	s1 =	sld [smem:$0x3FA9]  }
0x28: {  	s2 =	sld [smem:$0x3FAA]  }
0x29: {  	s4 =	sld [smem:$0x3FAC]  }
0x2a: {  	p0 =	seq.s32 s5, $0x0;
	s5 =	sld [smem:$0x3FAD]  }
0x2b: {  	s6 =	sld [smem:$0x3FAE]  }
0x2c: {  	s7 =	sld [smem:$0x3FAF]  }
0x2d: {  	s3 =	simm.s32 $0x108;
	s8 =	sld [smem:$0x3FB0]  }
0x2e: {  	s3 =	simm.s32 @!p0 $0x1082;
	s9 =	sld [smem:$0x3FB1]  }
0x2f: {  	lr =	sadd.s32 s0, s3;
	s0 =	sld [smem:$0x3FA8]  }
0x30: {  	s3 =	sld [smem:$0x3FAB]  }
0x31: {  	[smem:$0x3FB4] =	sst s10  }
0x32: {  	s10 =	sld [smem:$0x3FB2];
	_ =	sdelay $0x3  }
0x33: {  	p0 =	seq.s32 s10, $0x1;
	s10 =	sld [smem:$0x3FB4];
	_ =	sdelay $0x3  }
0x34: {  	[smem:$0x3FB4] =	sst s10  }
0x35: {  	s10 =	sld [smem:$0x3FB3];
	_ =	sdelay $0x3  }
0x36: {  	p1 =	seq.s32 s10, $0x1;
	s10 =	sld [smem:$0x3FB4];
	_ =	sdelay $0x3  }
0x37: {  	[smem:$0x3FB4] =	sst s10  }
0x38: {  	s10 =	sld [smem:$0x3FB5]  }
0x39: {  	_ = 	snop;
	(pc) =	sbr.ind lr, $3  }
0x3a: {  	_ = 	snop  }
0x3b: {  	_ = 	snop  }
0x3c: {  	p2 =	seq.s32 s10, $0x1;
	s10 =	sld [smem:$0x3FB4]  }
0x3d: {  	_ =	shalt  }
0x3e: {  	_ =	shalt  }
0x3f: {  	_ =	shalt  }
0x40: {  	_ =	shalt  }
0x41: {  	_ =	shalt  }
0x42: {  	_ =	shalt  }
0x43: {  	_ =	shalt  }
0x44: {  	_ =	shalt  }
0x45: {  	_ =	shalt  }
0x46: {  	_ =	shalt  }
0x47: {  	_ =	shalt  }
0x48: {  	_ =	shalt  }
0x49: {  	_ =	shalt  }
0x4a: {  	_ =	shalt  }
0x4b: {  	_ =	shalt  }
0x4c: {  	_ =	shalt  }
0x4d: {  	_ =	shalt  }
0x4e: {  	_ =	shalt  }
0x4f: {  	_ =	shalt  }
0x50: {  	_ =	shalt  }
0x51: {  	_ =	shalt  }
0x52: {  	_ =	shalt  }
0x53: {  	_ =	shalt  }
0x54: {  	_ =	shalt  }
0x55: {  	_ =	shalt  }
0x56: {  	_ =	shalt  }
0x57: {  	_ =	shalt  }
0x58: {  	_ =	shalt  }
0x59: {  	_ =	shalt  }
0x5a: {  	_ =	shalt  }
0x5b: {  	_ =	shalt  }
0x5c: {  	_ =	shalt  }
0x5d: {  	_ =	shalt  }
0x5e: {  	_ =	shalt  }
0x5f: {  	_ =	shalt  }
0x60: {  	_ =	shalt  }
0x61: {  	_ =	shalt  }
0x62: {  	_ =	shalt  }
0x63: {  	_ =	shalt  }
0x64: {  	_ =	shalt  }
0x65: {  	_ =	shalt  }
0x66: {  	_ =	shalt  }
0x67: {  	_ =	shalt  }
0x68: {  	_ =	shalt  }
0x69: {  	_ =	shalt  }
0x6a: {  	_ =	shalt  }
0x6b: {  	_ =	shalt  }
0x6c: {  	_ =	shalt  }
0x6d: {  	_ =	shalt  }
0x6e: {  	_ =	shalt  }
0x6f: {  	_ =	shalt  }
0x70: {  	_ =	shalt  }
0x71: {  	_ =	shalt  }
0x72: {  	_ =	shalt  }
0x73: {  	_ =	shalt  }
0x74: {  	_ =	shalt  }
0x75: {  	_ =	shalt  }
0x76: {  	_ =	shalt  }
0x77: {  	_ =	shalt  }
0x78: {  	_ =	shalt  }
0x79: {  	_ =	shalt  }
0x7a: {  	_ =	shalt  }
0x7b: {  	_ =	shalt  }
0x7c: {  	_ =	shalt  }
0x7d: {  	_ =	shalt  }
0x7e: {  	_ =	shalt  }
0x7f: {  	_ =	shalt  }
0x80: {  	_ =	shalt  }
0x81: {  	_ =	shalt  }
0x82: {  	_ =	shalt  }
0x83: {  	_ =	shalt  }
0x84: {  	_ =	shalt  }
0x85: {  	_ =	shalt  }
0x86: {  	_ =	shalt  }
0x87: {  	_ =	shalt  }
.Lfunc_end0:
.L_simem_size_0:
called_computation_lowered:
.L_overlay_start_0:
0x88: {  	s2 =	sld [smem:$0x3FD9]  }
0x89: {  	s3 =	sld [smem:$0x3FFE];
	_ =	sdelay $0x1  }
0x8a: {  	s1 =	srdreg.scid  }
0x8b: {  	s0 =	sand.u32 $0x1, s1  }
0x8c: {  	s17 =	sshll.u32 s0, $0xA;
	s2 =	sadd.s32 s3, s2  }
0x8d: {  	s2 =	sadd.s32 s2, s17  }
0x8e: {  	[smem:$0x3FC0] =	sst s2  }
0x8f: {  	_ = 	snop  }
0x90: {  	s2 =	sld [smem:$0x3FC7]  }
0x91: {  	s18 =	sld [smem:$0x3FD0];
	(tm) =	ssettm $0x1  }
0x92: {  	s4 =	sld [smem:$0x3FFB];
	_ =	sdelay $0x3  }
0x93: {  	_ =	strace s4  }
0x94: {  	s4 =	sld [smem:$0x3FFC];
	_ =	sdelay $0x3  }
0x95: {  	_ =	strace s4  }
0x96: {  	s4 =	sld [smem:$0x3FFD];
	_ =	sdelay $0x3  }
0x97: {  	_ =	strace s4  }
0x98: {  	_ =	strace $0x8FFFFFFF  }
0x99: {  	s19 =	sld [smem:$0x3FDB];
	_ =	sdelay $0x1  }
0x9a: {  	s5 =	simm.s32 $_scs_section_size  }
0x9b: {  	s6 =	simm.s32 $_size__tile_overlayer_lowered;
	s7 =	simm.s32 $_tile_overlayer_lowered  }
0x9c: {  	s22 =	simm.s32 $0x1BFF;
	s21 =	sshll.u32 s7, $0x1;
	s4 =	sadd.s32 s5, s19  }
0x9d: {  	s8 =	simm.s32 $0x0;
	s20 =	sshll.u32 s6, $0x1;
	s6 =	sadd.s32 s21, s4  }
0x9e: {  	[timem:s8], [sflag:s22] =	dma.local [hbm:s6], s20  }
0x9f: {  	_ =	swait.ge [sflag:s22], s20  }
0xa0: {  	s5 =	ssub.s32 $0x0, s20;
	[sflag:s22] =	ssyncset.done $0x0  }
0xa1: {  	[sflag:s22] =	ssyncadd.s32 s5;
	_ =	sdelay $0x1  }
0xa2: {  	s23 =	simm.s32 $0x1B8B  }
0xa3: {  	_ =	swait.ge [sflag:s23], $0x1  }
0xa4: {  	[sflag:s23] =	ssyncset.done $0x0  }
0xa5: {  	s25 =	simm.s32 $0x1B8E;
	s24 =	sld [smem:$0x3FFE];
	[sflag:s23] =	ssyncadd.s32 $0xFFFFFFFF  }
0xa6: {  	s26 =	simm.s32 $execute0_lowered;
	[smem:$0x3FD2] =	sst s25  }
0xa7: {  	s6 =	sshll.u32 s26, $0x1;
	_ =	strace $0x80000046;
	[dreg:$0x1] =	wrdreg $0xFFFFFFFF  }
0xa8: {  	s28 =	simm.s32 $_size_execute0_lowered;
	s4 =	sadd.s32 s4, s6;
	[dreg:$0x0] =	wrdreg $0x0  }
0xa9: {  	s6 =	sshll.u32 s28, $0x1;
	[dreg:$0x2] =	wrdreg s4  }
0xaa: {  	[dreg:$0x3] =	wrdreg s6  }
0xab: {  	[dreg:$0x4] =	wrdreg $0xC0  }
0xac: {  	_ =	task [dreg:s8], $0x5FFFF  }
0xad: {  	[dreg:$0x1] =	wrdreg $0xFFFFFFFF  }
0xae: {  	[dreg:$0x0] =	wrdreg $0x60  }
0xaf: {  	[dreg:$0x2] =	wrdreg s24  }
0xb0: {  	[dreg:$0x3] =	wrdreg s2  }
0xb1: {  	[dreg:$0x4] =	wrdreg s18  }
0xb2: {  	[dreg:$0x5] =	wrdreg $0x9  }
0xb3: {  	_ =	task.clear_ibuf [dreg:s8], $0x6FFFF;
	_ =	strace $0x90000046  }
0xb4: {  	s29 =	simm.s32 $0x9;
	_ =	strace $0x80000048  }
0xb5: {  	_ =	swait.ge [sflag:s29], $0x1  }
0xb6: {  	[sflag:s29] =	ssyncadd.s32 $0xFFFFFFFF  }
0xb7: {  	_ =	strace $0x90000048  }
0xb8: {  	_ =	sfence  }
0xb9: {  	s30 =	sld [smem:$0x0];
	_ =	sdelay $0x2  }
0xba: {  	s31 =	sshll.u32 s1, $0xD;
	s1 =	sshrl.u32 s1, $0x2  }
0xbb: {  	s3 =	sand.u32 $0x4000, s31;
	s1 =	sadd.s32 s1, s30  }
0xbc: {  	s0 =	sor.u32 s3, s0;
	s1 =	sshll.u32 s1, $0x11  }
0xbd: {  	s0 =	sor.u32 s1, s0  }
0xbe: {  	s0 =	sadd.s32 $0x8F2B, s0  }
0xbf: {  	[sflag:s0] =	ssyncadd.remote.s32 $0x1  }
0xc0: {  	_ =	sfence.sel $0xFFFF  }
0xc1: {  	[dreg:$0x0] =	wrdreg $0xFFFFFFFF;
	(pc) =	sbr.abs _section_cstart, $3  }
0xc2: {  	[dreg:$0x1] =	wrdreg $0xFFFFFFFF  }
0xc3: {  	_ =	task.clear_ibuf [dreg:s8], $0x2FFFF;
	_ =	strace $0x9FFFFFFF  }
0xc4: {  	(tm) =	ssettm $0x7FFFFFFF  }
0xc5: {  	_ =	shalt  }
tec
execute0_lowered:
.L_overlay_start_1:
0x0: {  	(tag) =	ssettag $0x1  }
0x1: {  	s4 =	rddreg [dreg:$0x0]  }
0x2: {  	s1 =	srdreg.scid;
	s6 =	rddreg [dreg:$0x1]  }
0x3: {  	s0 =	stileid.u32;
	s2 =	rddreg [dreg:$0x2];
	s3 =	simm.s32 $0x0  }
0x4: {  	s14 =	simm.s32 $0xA00;
	s5 =	sand.u32 $0x1, s1;
	s31 =	sshll.u32 s0, $0x1  }
0x5: {  	s15 =	simm.s32 $0x2A00;
	s16 =	simm.s32 $0x7A00;
	s7 =	sor.u32 s5, s31  }
0x6: {  	s17 =	simm.s32 $0x0;
	s1 =	rddreg [dreg:$0x3];
	s8 =	smul.u32 $0x60, s7  }
0x7: {  	[smem:$0x7FF] =	sst s3;
	s5 =	ssub.s32 $0x2, s5;
	s9 =	smul.u32 $0xA00, s7  }
0x8: {  	s10 =	smul.u32 $0x280, s7;
	s12 =	sshrl.u32 s5, $0x1;
	s13 =	sshll.u32 s7, $0x9  }
0x9: {  	v0 =	vlaneseq.u32;
	_ =	strace $0x80000047;
	s12 =	ssub.s32 s5, s12;
	v1 =	vmov s13;
	s13 =	simm.s32 $0x900  }
0xa: {  	v0 =	vmul.u32 $0x6, v0;
	s11 =	sadd.s32 s8, s4;
	s9 =	sadd.s32 s9, s4;
	s10 =	sadd.s32 s10, s4  }
0xb: {  	v2 =	vimm.f32 $0.0e+00;
	s6 =	sadd.s32 s6, s8;
	s4 =	sadd.s32 $0x2000, s11;
	s5 =	sadd.s32 $0x1400, s11  }
0xc: {  	v3 =	vimm.f32 $1.000000000e+00;
	v4 =	vor.u32 $0x1, v0;
	v5 =	vadd.s32 $0x2, v0;
	s7 =	sadd.s32 $0x2C00, s9;
	s8 =	sadd.s32 $0x16C00, s10;
	s9 =	smax.u32 s12, $0x1  }
0xd: {  	v6 =	vadd.s32 $0x3, v0;
	v7 =	vadd.s32 $0x4, v0;
	v8 =	vadd.s32 $0x5, v0;
	s10 =	simm.s32 $0x1;
	s11 =	simm.s32 $0x300;
	s12 =	simm.s32 $0x600  }
.LBB2_1:
0xe: {  	[tilespmem:s3], [sflag:$0x1] =	stream.linear.gather [hbm4b:s4+s3], $0x300, $0x38;
	[tilespmem:$0x8E00] =	vst v63  }
0xf: {  	_ =	swait.ge [sflag:s10], $0x300  }
0x10: {  	[sflag:s10] =	ssyncset.done $0x0  }
0x11: {  	[sflag:s10] =	ssyncadd.s32 $0xFFFFFD00  }
0x12: {  	[tilespmem:s11], [sflag:$0x1] =	stream.linear.gather [hbm4b:s5+s3], $0x300, $0x38;
	[tilespmem:$0x8E00] =	vst v63  }
0x13: {  	_ =	swait.ge [sflag:s10], $0x300  }
0x14: {  	[sflag:s10] =	ssyncset.done $0x0  }
0x15: {  	[sflag:s10] =	ssyncadd.s32 $0xFFFFFD00  }
0x16: {  	[tilespmem:s12], [sflag:$0x1] =	stream.linear.gather [hbm4b:s6+s3], $0x300, $0x38;
	[tilespmem:$0x8E00] =	vst v63  }
0x17: {  	_ =	swait.ge [sflag:s10], $0x300  }
0x18: {  	[sflag:s10] =	ssyncset.done $0x0  }
0x19: {  	[sflag:s10] =	ssyncadd.s32 $0xFFFFFD00  }
0x1a: {  	[tilespmem:s13], [sflag:$0x1] =	stream.linear.gather [hbm4b:s2+s3], $0x100, $0x38;
	[tilespmem:$0x8E00] =	vst v63  }
0x1b: {  	_ =	swait.ge [sflag:s10], $0x100  }
0x1c: {  	[sflag:s10] =	ssyncset.done $0x0  }
0x1d: {  	s18 =	simm.s32 $0x40;
	s19 =	simm.s32 $0x0;
	[sflag:s10] =	ssyncadd.s32 $0xFFFFFF00  }
.LBB2_2:
0x1e: {  	p0 =	sne.s32 s18, $0x7FC0;
	[tilespmem:s19+$0xA00] =	vst v2;
	s19 =	smov.u32 s18;
	s18 =	sadd.s32 $0x40, s18  }
.Ltmp0:
0x1f: {  	(pc) =	sbr.rel @p0 .LBB2_2-.Ltmp0, $2  }
0x20: {  	_ =	sdelay $0x2  }
0x21: {  	s19 =	sshra.s32 s19, $0x2  }
0x22: {  	[tilespmem:s19+$0xA00] =	vst v2;
	s18 =	simm.s32 $0x40;
	s19 =	simm.s32 $0x0  }
.LBB2_4:
0x23: {  	p0 =	sne.s32 s18, $0x13FC0;
	[tilespmem:s19+$0x2A00] =	vst v2;
	s19 =	smov.u32 s18;
	s18 =	sadd.s32 $0x40, s18  }
.Ltmp1:
0x24: {  	(pc) =	sbr.rel @p0 .LBB2_4-.Ltmp1, $2  }
0x25: {  	_ =	sdelay $0x2  }
0x26: {  	s19 =	sshra.s32 s19, $0x2  }
0x27: {  	[tilespmem:s19+$0x2A00] =	vst v2;
	s18 =	simm.s32 $0x40;
	s19 =	simm.s32 $0x0  }
.LBB2_6:
0x28: {  	p0 =	sne.s32 s18, $0x4FC0;
	[tilespmem:s19+$0x7A00] =	vst v2;
	s19 =	smov.u32 s18;
	s18 =	sadd.s32 $0x40, s18  }
.Ltmp2:
0x29: {  	(pc) =	sbr.rel @p0 .LBB2_6-.Ltmp2, $2  }
0x2a: {  	_ =	sdelay $0x2  }
0x2b: {  	s19 =	sshra.s32 s19, $0x2  }
0x2c: {  	[tilespmem:s19+$0x7A00] =	vst v2;
	s18 =	simm.s32 $0x0;
	s19 =	simm.s32 $0x0  }
.LBB2_8:
0x2d: {  	v9 =	vadd.s32 s19, v0;
	_ =	sdelay $0x4  }
0x2e: {  	v10 =	vld.idx.msk [tilespmem:v9+s11+$0x0], $0xffff;
	_ =	sdelay $0x1  }
0x2f: {  	v9 =	vld.idx.msk [tilespmem:v9+s12+$0x0], $0xffff;
	_ =	sdelay $0x2  }
0x30: {  	v10 =	vsub.s32 v10, v1  }
0x31: {  	v10 =	vshll.u32 v10, $0x4  }
0x32: {  	v9 =	vadd.s32 v9, v10  }
0x33: {  	v10 =	vadd.s32 s19, v4;
	_ =	sdelay $0x3  }
0x34: {  	[tilespmem:v9+s14+$0x0] =	vst.idx.add.f32.msk $0xffff, v3  }
0x35: {  	v9 =	vld.idx.msk [tilespmem:v10+s11+$0x0], $0xffff;
	_ =	sdelay $0x1  }
0x36: {  	v10 =	vld.idx.msk [tilespmem:v10+s12+$0x0], $0xffff;
	_ =	sdelay $0x2  }
0x37: {  	v9 =	vsub.s32 v9, v1  }
0x38: {  	v9 =	vshll.u32 v9, $0x4  }
0x39: {  	v9 =	vadd.s32 v10, v9  }
0x3a: {  	v10 =	vadd.s32 s19, v5;
	_ =	sdelay $0x3  }
0x3b: {  	[tilespmem:v9+s14+$0x0] =	vst.idx.add.f32.msk $0xffff, v3  }
0x3c: {  	v9 =	vld.idx.msk [tilespmem:v10+s11+$0x0], $0xffff;
	_ =	sdelay $0x1  }
0x3d: {  	v10 =	vld.idx.msk [tilespmem:v10+s12+$0x0], $0xffff;
	_ =	sdelay $0x2  }
0x3e: {  	v9 =	vsub.s32 v9, v1  }
0x3f: {  	v9 =	vshll.u32 v9, $0x4  }
0x40: {  	v9 =	vadd.s32 v10, v9  }
0x41: {  	v10 =	vadd.s32 s19, v6;
	_ =	sdelay $0x3  }
0x42: {  	[tilespmem:v9+s14+$0x0] =	vst.idx.add.f32.msk $0xffff, v3  }
0x43: {  	v9 =	vld.idx.msk [tilespmem:v10+s11+$0x0], $0xffff;
	_ =	sdelay $0x1  }
0x44: {  	v10 =	vld.idx.msk [tilespmem:v10+s12+$0x0], $0xffff;
	_ =	sdelay $0x2  }
0x45: {  	v9 =	vsub.s32 v9, v1  }
0x46: {  	v9 =	vshll.u32 v9, $0x4  }
0x47: {  	v9 =	vadd.s32 v10, v9  }
0x48: {  	v10 =	vadd.s32 s19, v7;
	_ =	sdelay $0x3  }
0x49: {  	[tilespmem:v9+s14+$0x0] =	vst.idx.add.f32.msk $0xffff, v3  }
0x4a: {  	v9 =	vld.idx.msk [tilespmem:v10+s11+$0x0], $0xffff;
	_ =	sdelay $0x1  }
0x4b: {  	v10 =	vld.idx.msk [tilespmem:v10+s12+$0x0], $0xffff;
	_ =	sdelay $0x2  }
0x4c: {  	v9 =	vsub.s32 v9, v1  }
0x4d: {  	v9 =	vshll.u32 v9, $0x4  }
0x4e: {  	v9 =	vadd.s32 v10, v9  }
0x4f: {  	v10 =	vadd.s32 s19, v8;
	_ =	sdelay $0x3  }
0x50: {  	[tilespmem:v9+s14+$0x0] =	vst.idx.add.f32.msk $0xffff, v3  }
0x51: {  	v9 =	vld.idx.msk [tilespmem:v10+s11+$0x0], $0xffff;
	_ =	sdelay $0x1  }
0x52: {  	v10 =	vld.idx.msk [tilespmem:v10+s12+$0x0], $0xffff;
	_ =	sdelay $0x2  }
0x53: {  	v9 =	vsub.s32 v9, v1  }
0x54: {  	v9 =	vshll.u32 v9, $0x4  }
0x55: {  	p0 =	sne.s32 s19, $0x2A0;
	v9 =	vadd.s32 v10, v9  }
.Ltmp3:
0x56: {  	_ = 	snop;
	(pc) =	sbr.rel @p0 .LBB2_8-.Ltmp3, $2  }
0x57: {  	_ =	sdelay $0x2  }
0x58: {  	s19 =	sadd.s32 $0x60, s19;
	[tilespmem:v9+s14+$0x0] =	vst.idx.add.f32.msk $0xffff, v3  }
.LBB2_9:
0x59: {  	v9 =	vadd.s32 s18, v0;
	_ =	sdelay $0x4  }
0x5a: {  	v10 =	vld.idx.msk [tilespmem:v9+s11+$0x0], $0xffff;
	_ =	sdelay $0x1  }
0x5b: {  	v11 =	vld.idx.msk [tilespmem:v9+s12+$0x0], $0xffff;
	_ =	sdelay $0x2  }
0x5c: {  	v12 =	vsub.s32 v10, v1  }
0x5d: {  	v13 =	vshll.u32 v12, $0x4  }
0x5e: {  	v13 =	vadd.s32 v11, v13;
	_ =	sdelay $0x4  }
0x5f: {  	v13 =	vld.idx.msk [tilespmem:v13+s14+$0x0], $0xffff;
	_ =	sdelay $0x2  }
0x60: {  	v9 =	vld.idx.msk [tilespmem:v9+s3+$0x0], $0xffff  }
0x61: {  	v11 =	vmul.u32 $0xA, v11  }
0x62: {  	(erf) = vrcp.f32 v13;
	_ =	sdelay $0x2  }
0x63: {  	v10 =	vsub.s32 v10, v9  }
0x64: {  	v10 =	vand.u32 $0x3, v10  }
0x65: {  	v12 =	vmul.u32 $0x28, v12;
	v10 =	vmul.u32 $0xA, v10;
	v33 =	vld.idx.msk [tilespmem:v11+s13+$0x0], $0xffff  }
0x66: {  	v9 =	vsub.s32 v9, v1  }
0x67: {  	v9 =	vmul.u32 $0xA, v9;
	v10 =	vadd.s32 v12, v10;
	_ =	sdelay $0x1  }
0x68: {  	v14 =	vor.u32 $0x1, v11;
	v34 =	vpop (erf)  }
0x69: {  	v13 =	vmul.f32 v34, v33;
	_ =	sdelay $0x1  }
0x6a: {  	[tilespmem:v10+s15+$0x0] =	vst.idx.add.f32.msk $0xffff, v13  }
0x6b: {  	[tilespmem:v9+s16+$0x0] =	vst.idx.add.f32.msk $0xffff, v13  }
0x6c: {  	v13 =	vld.idx.msk [tilespmem:v14+s13+$0x0], $0xffff;
	_ =	sdelay $0x1  }
0x6d: {  	v35 =	vor.u32 $0x1, v10  }
0x6e: {  	v15 =	vor.u32 $0x1, v9  }
0x6f: {  	v16 =	vadd.s32 $0x2, v11  }
0x70: {  	v13 =	vmul.f32 v13, v34;
	_ =	sdelay $0x1  }
0x71: {  	[tilespmem:v35+s15+$0x0] =	vst.idx.add.f32.msk $0xffff, v13  }
0x72: {  	[tilespmem:v15+s16+$0x0] =	vst.idx.add.f32.msk $0xffff, v13  }
0x73: {  	v13 =	vld.idx.msk [tilespmem:v16+s13+$0x0], $0xffff;
	_ =	sdelay $0x1  }
0x74: {  	v36 =	vadd.s32 $0x2, v10  }
0x75: {  	v37 =	vadd.s32 $0x2, v9  }
0x76: {  	v38 =	vadd.s32 $0x3, v11  }
0x77: {  	v13 =	vmul.f32 v13, v34;
	_ =	sdelay $0x1  }
0x78: {  	[tilespmem:v36+s15+$0x0] =	vst.idx.add.f32.msk $0xffff, v13  }
0x79: {  	[tilespmem:v37+s16+$0x0] =	vst.idx.add.f32.msk $0xffff, v13  }
0x7a: {  	v13 =	vld.idx.msk [tilespmem:v38+s13+$0x0], $0xffff;
	_ =	sdelay $0x1  }
0x7b: {  	v39 =	vadd.s32 $0x3, v10  }
0x7c: {  	v40 =	vadd.s32 $0x3, v9  }
0x7d: {  	v41 =	vadd.s32 $0x4, v11  }
0x7e: {  	v13 =	vmul.f32 v13, v34;
	_ =	sdelay $0x1  }
0x7f: {  	[tilespmem:v39+s15+$0x0] =	vst.idx.add.f32.msk $0xffff, v13  }
0x80: {  	[tilespmem:v40+s16+$0x0] =	vst.idx.add.f32.msk $0xffff, v13  }
0x81: {  	v13 =	vld.idx.msk [tilespmem:v41+s13+$0x0], $0xffff;
	_ =	sdelay $0x1  }
0x82: {  	v42 =	vadd.s32 $0x4, v10  }
0x83: {  	v43 =	vadd.s32 $0x4, v9  }
0x84: {  	v44 =	vadd.s32 $0x5, v11  }
0x85: {  	v13 =	vmul.f32 v13, v34;
	_ =	sdelay $0x1  }
0x86: {  	[tilespmem:v42+s15+$0x0] =	vst.idx.add.f32.msk $0xffff, v13  }
0x87: {  	[tilespmem:v43+s16+$0x0] =	vst.idx.add.f32.msk $0xffff, v13  }
0x88: {  	v13 =	vld.idx.msk [tilespmem:v44+s13+$0x0], $0xffff;
	_ =	sdelay $0x1  }
0x89: {  	v45 =	vadd.s32 $0x5, v10  }
0x8a: {  	v46 =	vadd.s32 $0x5, v9  }
0x8b: {  	v47 =	vadd.s32 $0x6, v11  }
0x8c: {  	v13 =	vmul.f32 v13, v34;
	_ =	sdelay $0x1  }
0x8d: {  	[tilespmem:v45+s15+$0x0] =	vst.idx.add.f32.msk $0xffff, v13  }
0x8e: {  	[tilespmem:v46+s16+$0x0] =	vst.idx.add.f32.msk $0xffff, v13  }
0x8f: {  	v13 =	vld.idx.msk [tilespmem:v47+s13+$0x0], $0xffff;
	_ =	sdelay $0x1  }
0x90: {  	v48 =	vadd.s32 $0x6, v10  }
0x91: {  	v49 =	vadd.s32 $0x6, v9  }
0x92: {  	v50 =	vadd.s32 $0x7, v11  }
0x93: {  	v13 =	vmul.f32 v13, v34;
	_ =	sdelay $0x1  }
0x94: {  	[tilespmem:v48+s15+$0x0] =	vst.idx.add.f32.msk $0xffff, v13  }
0x95: {  	[tilespmem:v49+s16+$0x0] =	vst.idx.add.f32.msk $0xffff, v13  }
0x96: {  	v13 =	vld.idx.msk [tilespmem:v50+s13+$0x0], $0xffff;
	_ =	sdelay $0x1  }
0x97: {  	v51 =	vadd.s32 $0x7, v10  }
0x98: {  	v52 =	vadd.s32 $0x7, v9  }
0x99: {  	v53 =	vadd.s32 $0x8, v11  }
0x9a: {  	v13 =	vmul.f32 v13, v34;
	_ =	sdelay $0x1  }
0x9b: {  	[tilespmem:v51+s15+$0x0] =	vst.idx.add.f32.msk $0xffff, v13  }
0x9c: {  	[tilespmem:v52+s16+$0x0] =	vst.idx.add.f32.msk $0xffff, v13  }
0x9d: {  	v13 =	vld.idx.msk [tilespmem:v53+s13+$0x0], $0xffff;
	_ =	sdelay $0x1  }
0x9e: {  	v54 =	vadd.s32 $0x8, v10  }
0x9f: {  	v55 =	vadd.s32 $0x8, v9  }
0xa0: {  	v11 =	vadd.s32 $0x9, v11  }
0xa1: {  	v13 =	vmul.f32 v13, v34;
	_ =	sdelay $0x1  }
0xa2: {  	[tilespmem:v54+s15+$0x0] =	vst.idx.add.f32.msk $0xffff, v13  }
0xa3: {  	[tilespmem:v55+s16+$0x0] =	vst.idx.add.f32.msk $0xffff, v13  }
0xa4: {  	v11 =	vld.idx.msk [tilespmem:v11+s13+$0x0], $0xffff;
	_ =	sdelay $0x1  }
0xa5: {  	v10 =	vadd.s32 $0x9, v10  }
0xa6: {  	v9 =	vadd.s32 $0x9, v9  }
0xa7: {  	v56 =	vadd.s32 s18, v4  }
0xa8: {  	v11 =	vmul.f32 v11, v34;
	_ =	sdelay $0x1  }
0xa9: {  	[tilespmem:v10+s15+$0x0] =	vst.idx.add.f32.msk $0xffff, v11  }
0xaa: {  	[tilespmem:v9+s16+$0x0] =	vst.idx.add.f32.msk $0xffff, v11  }
0xab: {  	v9 =	vld.idx.msk [tilespmem:v56+s11+$0x0], $0xffff;
	_ =	sdelay $0x1  }
0xac: {  	v10 =	vld.idx.msk [tilespmem:v56+s12+$0x0], $0xffff;
	_ =	sdelay $0x2  }
0xad: {  	v11 =	vsub.s32 v9, v1  }
0xae: {  	v57 =	vshll.u32 v11, $0x4  }
0xaf: {  	v12 =	vadd.s32 v10, v57;
	_ =	sdelay $0x4  }
0xb0: {  	v12 =	vld.idx.msk [tilespmem:v12+s14+$0x0], $0xffff;
	_ =	sdelay $0x2  }
0xb1: {  	v13 =	vld.idx.msk [tilespmem:v56+s3+$0x0], $0xffff  }
0xb2: {  	v10 =	vmul.u32 $0xA, v10  }
0xb3: {  	(erf) = vrcp.f32 v12;
	_ =	sdelay $0x2  }
0xb4: {  	v9 =	vsub.s32 v9, v13  }
0xb5: {  	v9 =	vand.u32 $0x3, v9  }
0xb6: {  	v11 =	vmul.u32 $0x28, v11;
	v9 =	vmul.u32 $0xA, v9;
	v58 =	vld.idx.msk [tilespmem:v10+s13+$0x0], $0xffff  }
0xb7: {  	v13 =	vsub.s32 v13, v1  }
0xb8: {  	v9 =	vadd.s32 v11, v9;
	v11 =	vmul.u32 $0xA, v13;
	_ =	sdelay $0x1  }
0xb9: {  	v60 =	vor.u32 $0x1, v10;
	v59 =	vpop (erf)  }
0xba: {  	v12 =	vmul.f32 v59, v58;
	_ =	sdelay $0x1  }
0xbb: {  	[tilespmem:v9+s15+$0x0] =	vst.idx.add.f32.msk $0xffff, v12  }
0xbc: {  	[tilespmem:v11+s16+$0x0] =	vst.idx.add.f32.msk $0xffff, v12  }
0xbd: {  	v12 =	vld.idx.msk [tilespmem:v60+s13+$0x0], $0xffff;
	_ =	sdelay $0x1  }
0xbe: {  	v61 =	vor.u32 $0x1, v9  }
0xbf: {  	v62 =	vor.u32 $0x1, v11  }
0xc0: {  	v63 =	vadd.s32 $0x2, v10  }
0xc1: {  	v12 =	vmul.f32 v12, v59;
	_ =	sdelay $0x1  }
0xc2: {  	[tilespmem:v61+s15+$0x0] =	vst.idx.add.f32.msk $0xffff, v12  }
0xc3: {  	[tilespmem:v62+s16+$0x0] =	vst.idx.add.f32.msk $0xffff, v12  }
0xc4: {  	v12 =	vld.idx.msk [tilespmem:v63+s13+$0x0], $0xffff;
	_ =	sdelay $0x1  }
0xc5: {  	v20 =	vadd.s32 $0x2, v9  }
0xc6: {  	v21 =	vadd.s32 $0x2, v11  }
0xc7: {  	v22 =	vadd.s32 $0x3, v10  }
0xc8: {  	v12 =	vmul.f32 v12, v59;
	_ =	sdelay $0x1  }
0xc9: {  	[tilespmem:v20+s15+$0x0] =	vst.idx.add.f32.msk $0xffff, v12  }
0xca: {  	[tilespmem:v21+s16+$0x0] =	vst.idx.add.f32.msk $0xffff, v12  }
0xcb: {  	v12 =	vld.idx.msk [tilespmem:v22+s13+$0x0], $0xffff;
	_ =	sdelay $0x1  }
0xcc: {  	v23 =	vadd.s32 $0x3, v9  }
0xcd: {  	v24 =	vadd.s32 $0x3, v11  }
0xce: {  	v25 =	vadd.s32 $0x4, v10  }
0xcf: {  	v12 =	vmul.f32 v12, v59;
	_ =	sdelay $0x1  }
0xd0: {  	[tilespmem:v23+s15+$0x0] =	vst.idx.add.f32.msk $0xffff, v12  }
0xd1: {  	[tilespmem:v24+s16+$0x0] =	vst.idx.add.f32.msk $0xffff, v12  }
0xd2: {  	v12 =	vld.idx.msk [tilespmem:v25+s13+$0x0], $0xffff;
	_ =	sdelay $0x1  }
0xd3: {  	v26 =	vadd.s32 $0x4, v9  }
0xd4: {  	v27 =	vadd.s32 $0x4, v11  }
0xd5: {  	v28 =	vadd.s32 $0x5, v10  }
0xd6: {  	v12 =	vmul.f32 v12, v59;
	_ =	sdelay $0x1  }
0xd7: {  	[tilespmem:v26+s15+$0x0] =	vst.idx.add.f32.msk $0xffff, v12  }
0xd8: {  	[tilespmem:v27+s16+$0x0] =	vst.idx.add.f32.msk $0xffff, v12  }
0xd9: {  	v12 =	vld.idx.msk [tilespmem:v28+s13+$0x0], $0xffff;
	_ =	sdelay $0x1  }
0xda: {  	v29 =	vadd.s32 $0x5, v9  }
0xdb: {  	v30 =	vadd.s32 $0x5, v11  }
0xdc: {  	v31 =	vadd.s32 $0x6, v10  }
0xdd: {  	v12 =	vmul.f32 v12, v59;
	_ =	sdelay $0x1  }
0xde: {  	[tilespmem:v29+s15+$0x0] =	vst.idx.add.f32.msk $0xffff, v12  }
0xdf: {  	[tilespmem:v30+s16+$0x0] =	vst.idx.add.f32.msk $0xffff, v12  }
0xe0: {  	v12 =	vld.idx.msk [tilespmem:v31+s13+$0x0], $0xffff;
	_ =	sdelay $0x1  }
0xe1: {  	v32 =	vadd.s32 $0x6, v9  }
0xe2: {  	v33 =	vadd.s32 $0x6, v11  }
0xe3: {  	v34 =	vadd.s32 $0x7, v10  }
0xe4: {  	v12 =	vmul.f32 v12, v59;
	_ =	sdelay $0x1  }
0xe5: {  	[tilespmem:v32+s15+$0x0] =	vst.idx.add.f32.msk $0xffff, v12  }
0xe6: {  	[tilespmem:v33+s16+$0x0] =	vst.idx.add.f32.msk $0xffff, v12  }
0xe7: {  	v12 =	vld.idx.msk [tilespmem:v34+s13+$0x0], $0xffff;
	_ =	sdelay $0x1  }
0xe8: {  	v35 =	vadd.s32 $0x7, v9  }
0xe9: {  	v36 =	vadd.s32 $0x7, v11  }
0xea: {  	v37 =	vadd.s32 $0x8, v10  }
0xeb: {  	v12 =	vmul.f32 v12, v59;
	_ =	sdelay $0x1  }
0xec: {  	[tilespmem:v35+s15+$0x0] =	vst.idx.add.f32.msk $0xffff, v12  }
0xed: {  	[tilespmem:v36+s16+$0x0] =	vst.idx.add.f32.msk $0xffff, v12  }
0xee: {  	v12 =	vld.idx.msk [tilespmem:v37+s13+$0x0], $0xffff;
	_ =	sdelay $0x1  }
0xef: {  	v38 =	vadd.s32 $0x8, v9  }
0xf0: {  	v39 =	vadd.s32 $0x8, v11  }
0xf1: {  	v10 =	vadd.s32 $0x9, v10  }
0xf2: {  	v12 =	vmul.f32 v12, v59;
	_ =	sdelay $0x1  }
0xf3: {  	[tilespmem:v38+s15+$0x0] =	vst.idx.add.f32.msk $0xffff, v12  }
0xf4: {  	[tilespmem:v39+s16+$0x0] =	vst.idx.add.f32.msk $0xffff, v12  }
0xf5: {  	v10 =	vld.idx.msk [tilespmem:v10+s13+$0x0], $0xffff;
	_ =	sdelay $0x1  }
0xf6: {  	v9 =	vadd.s32 $0x9, v9  }
0xf7: {  	v11 =	vadd.s32 $0x9, v11  }
0xf8: {  	v40 =	vadd.s32 s18, v5  }
0xf9: {  	v10 =	vmul.f32 v10, v59;
	_ =	sdelay $0x1  }
0xfa: {  	[tilespmem:v9+s15+$0x0] =	vst.idx.add.f32.msk $0xffff, v10  }
0xfb: {  	[tilespmem:v11+s16+$0x0] =	vst.idx.add.f32.msk $0xffff, v10  }
0xfc: {  	v9 =	vld.idx.msk [tilespmem:v40+s11+$0x0], $0xffff;
	_ =	sdelay $0x1  }
0xfd: {  	v10 =	vld.idx.msk [tilespmem:v40+s12+$0x0], $0xffff;
	_ =	sdelay $0x2  }
0xfe: {  	v11 =	vsub.s32 v9, v1  }
0xff: {  	v41 =	vshll.u32 v11, $0x4  }
0x100: {  	v13 =	vadd.s32 v10, v41;
	_ =	sdelay $0x4  }
0x101: {  	v13 =	vld.idx.msk [tilespmem:v13+s14+$0x0], $0xffff;
	_ =	sdelay $0x2  }
0x102: {  	v12 =	vld.idx.msk [tilespmem:v40+s3+$0x0], $0xffff  }
0x103: {  	v10 =	vmul.u32 $0xA, v10  }
0x104: {  	(erf) = vrcp.f32 v13;
	_ =	sdelay $0x2  }
0x105: {  	v9 =	vsub.s32 v9, v12  }
0x106: {  	v9 =	vand.u32 $0x3, v9  }
0x107: {  	v11 =	vmul.u32 $0x28, v11;
	v9 =	vmul.u32 $0xA, v9;
	v42 =	vld.idx.msk [tilespmem:v10+s13+$0x0], $0xffff  }
0x108: {  	v12 =	vsub.s32 v12, v1  }
0x109: {  	v9 =	vadd.s32 v11, v9;
	v11 =	vmul.u32 $0xA, v12;
	_ =	sdelay $0x1  }
0x10a: {  	v44 =	vor.u32 $0x1, v10;
	v43 =	vpop (erf)  }
0x10b: {  	v13 =	vmul.f32 v43, v42;
	_ =	sdelay $0x1  }
0x10c: {  	[tilespmem:v9+s15+$0x0] =	vst.idx.add.f32.msk $0xffff, v13  }
0x10d: {  	[tilespmem:v11+s16+$0x0] =	vst.idx.add.f32.msk $0xffff, v13  }
0x10e: {  	v13 =	vld.idx.msk [tilespmem:v44+s13+$0x0], $0xffff;
	_ =	sdelay $0x1  }
0x10f: {  	v45 =	vor.u32 $0x1, v9  }
0x110: {  	v46 =	vor.u32 $0x1, v11  }
0x111: {  	v47 =	vadd.s32 $0x2, v10  }
0x112: {  	v13 =	vmul.f32 v13, v43;
	_ =	sdelay $0x1  }
0x113: {  	[tilespmem:v45+s15+$0x0] =	vst.idx.add.f32.msk $0xffff, v13  }
0x114: {  	[tilespmem:v46+s16+$0x0] =	vst.idx.add.f32.msk $0xffff, v13  }
0x115: {  	v13 =	vld.idx.msk [tilespmem:v47+s13+$0x0], $0xffff;
	_ =	sdelay $0x1  }
0x116: {  	v48 =	vadd.s32 $0x2, v9  }
0x117: {  	v49 =	vadd.s32 $0x2, v11  }
0x118: {  	v50 =	vadd.s32 $0x3, v10  }
0x119: {  	v13 =	vmul.f32 v13, v43;
	_ =	sdelay $0x1  }
0x11a: {  	[tilespmem:v48+s15+$0x0] =	vst.idx.add.f32.msk $0xffff, v13  }
0x11b: {  	[tilespmem:v49+s16+$0x0] =	vst.idx.add.f32.msk $0xffff, v13  }
0x11c: {  	v13 =	vld.idx.msk [tilespmem:v50+s13+$0x0], $0xffff;
	_ =	sdelay $0x1  }
0x11d: {  	v51 =	vadd.s32 $0x3, v9  }
0x11e: {  	v52 =	vadd.s32 $0x3, v11  }
0x11f: {  	v53 =	vadd.s32 $0x4, v10  }
0x120: {  	v13 =	vmul.f32 v13, v43;
	_ =	sdelay $0x1  }
0x121: {  	[tilespmem:v51+s15+$0x0] =	vst.idx.add.f32.msk $0xffff, v13  }
0x122: {  	[tilespmem:v52+s16+$0x0] =	vst.idx.add.f32.msk $0xffff, v13  }
0x123: {  	v13 =	vld.idx.msk [tilespmem:v53+s13+$0x0], $0xffff;
	_ =	sdelay $0x1  }
0x124: {  	v54 =	vadd.s32 $0x4, v9  }
0x125: {  	v55 =	vadd.s32 $0x4, v11  }
0x126: {  	v56 =	vadd.s32 $0x5, v10  }
0x127: {  	v13 =	vmul.f32 v13, v43;
	_ =	sdelay $0x1  }
0x128: {  	[tilespmem:v54+s15+$0x0] =	vst.idx.add.f32.msk $0xffff, v13  }
0x129: {  	[tilespmem:v55+s16+$0x0] =	vst.idx.add.f32.msk $0xffff, v13  }
0x12a: {  	v13 =	vld.idx.msk [tilespmem:v56+s13+$0x0], $0xffff;
	_ =	sdelay $0x1  }
0x12b: {  	v57 =	vadd.s32 $0x5, v9  }
0x12c: {  	v58 =	vadd.s32 $0x5, v11  }
0x12d: {  	v59 =	vadd.s32 $0x6, v10  }
0x12e: {  	v13 =	vmul.f32 v13, v43;
	_ =	sdelay $0x1  }
0x12f: {  	[tilespmem:v57+s15+$0x0] =	vst.idx.add.f32.msk $0xffff, v13  }
0x130: {  	[tilespmem:v58+s16+$0x0] =	vst.idx.add.f32.msk $0xffff, v13  }
0x131: {  	v13 =	vld.idx.msk [tilespmem:v59+s13+$0x0], $0xffff;
	_ =	sdelay $0x1  }
0x132: {  	v60 =	vadd.s32 $0x6, v9  }
0x133: {  	v61 =	vadd.s32 $0x6, v11  }
0x134: {  	v62 =	vadd.s32 $0x7, v10  }
0x135: {  	v13 =	vmul.f32 v13, v43;
	_ =	sdelay $0x1  }
0x136: {  	[tilespmem:v60+s15+$0x0] =	vst.idx.add.f32.msk $0xffff, v13  }
0x137: {  	[tilespmem:v61+s16+$0x0] =	vst.idx.add.f32.msk $0xffff, v13  }
0x138: {  	v13 =	vld.idx.msk [tilespmem:v62+s13+$0x0], $0xffff;
	_ =	sdelay $0x1  }
0x139: {  	v63 =	vadd.s32 $0x7, v9  }
0x13a: {  	v20 =	vadd.s32 $0x7, v11  }
0x13b: {  	v21 =	vadd.s32 $0x8, v10  }
0x13c: {  	v13 =	vmul.f32 v13, v43;
	_ =	sdelay $0x1  }
0x13d: {  	[tilespmem:v63+s15+$0x0] =	vst.idx.add.f32.msk $0xffff, v13  }
0x13e: {  	[tilespmem:v20+s16+$0x0] =	vst.idx.add.f32.msk $0xffff, v13  }
0x13f: {  	v13 =	vld.idx.msk [tilespmem:v21+s13+$0x0], $0xffff;
	_ =	sdelay $0x1  }
0x140: {  	v22 =	vadd.s32 $0x8, v9  }
0x141: {  	v23 =	vadd.s32 $0x8, v11  }
0x142: {  	v10 =	vadd.s32 $0x9, v10  }
0x143: {  	v13 =	vmul.f32 v13, v43;
	_ =	sdelay $0x1  }
0x144: {  	[tilespmem:v22+s15+$0x0] =	vst.idx.add.f32.msk $0xffff, v13  }
0x145: {  	[tilespmem:v23+s16+$0x0] =	vst.idx.add.f32.msk $0xffff, v13  }
0x146: {  	v10 =	vld.idx.msk [tilespmem:v10+s13+$0x0], $0xffff;
	_ =	sdelay $0x1  }
0x147: {  	v9 =	vadd.s32 $0x9, v9  }
0x148: {  	v11 =	vadd.s32 $0x9, v11  }
0x149: {  	v24 =	vadd.s32 s18, v6  }
0x14a: {  	v10 =	vmul.f32 v10, v43;
	_ =	sdelay $0x1  }
0x14b: {  	[tilespmem:v9+s15+$0x0] =	vst.idx.add.f32.msk $0xffff, v10  }
0x14c: {  	[tilespmem:v11+s16+$0x0] =	vst.idx.add.f32.msk $0xffff, v10  }
0x14d: {  	v9 =	vld.idx.msk [tilespmem:v24+s11+$0x0], $0xffff;
	_ =	sdelay $0x1  }
0x14e: {  	v10 =	vld.idx.msk [tilespmem:v24+s12+$0x0], $0xffff;
	_ =	sdelay $0x2  }
0x14f: {  	v11 =	vsub.s32 v9, v1  }
0x150: {  	v25 =	vshll.u32 v11, $0x4  }
0x151: {  	v12 =	vadd.s32 v10, v25;
	_ =	sdelay $0x4  }
0x152: {  	v12 =	vld.idx.msk [tilespmem:v12+s14+$0x0], $0xffff;
	_ =	sdelay $0x2  }
0x153: {  	v13 =	vld.idx.msk [tilespmem:v24+s3+$0x0], $0xffff  }
0x154: {  	v10 =	vmul.u32 $0xA, v10  }
0x155: {  	(erf) = vrcp.f32 v12;
	_ =	sdelay $0x2  }
0x156: {  	v9 =	vsub.s32 v9, v13  }
0x157: {  	v9 =	vand.u32 $0x3, v9  }
0x158: {  	v11 =	vmul.u32 $0x28, v11;
	v9 =	vmul.u32 $0xA, v9;
	v26 =	vld.idx.msk [tilespmem:v10+s13+$0x0], $0xffff  }
0x159: {  	v13 =	vsub.s32 v13, v1  }
0x15a: {  	v9 =	vadd.s32 v11, v9;
	v11 =	vmul.u32 $0xA, v13;
	_ =	sdelay $0x1  }
0x15b: {  	v28 =	vor.u32 $0x1, v10;
	v27 =	vpop (erf)  }
0x15c: {  	v12 =	vmul.f32 v27, v26;
	_ =	sdelay $0x1  }
0x15d: {  	[tilespmem:v9+s15+$0x0] =	vst.idx.add.f32.msk $0xffff, v12  }
0x15e: {  	[tilespmem:v11+s16+$0x0] =	vst.idx.add.f32.msk $0xffff, v12  }
0x15f: {  	v12 =	vld.idx.msk [tilespmem:v28+s13+$0x0], $0xffff;
	_ =	sdelay $0x1  }
0x160: {  	v29 =	vor.u32 $0x1, v9  }
0x161: {  	v30 =	vor.u32 $0x1, v11  }
0x162: {  	v31 =	vadd.s32 $0x2, v10  }
0x163: {  	v12 =	vmul.f32 v12, v27;
	_ =	sdelay $0x1  }
0x164: {  	[tilespmem:v29+s15+$0x0] =	vst.idx.add.f32.msk $0xffff, v12  }
0x165: {  	[tilespmem:v30+s16+$0x0] =	vst.idx.add.f32.msk $0xffff, v12  }
0x166: {  	v12 =	vld.idx.msk [tilespmem:v31+s13+$0x0], $0xffff;
	_ =	sdelay $0x1  }
0x167: {  	v32 =	vadd.s32 $0x2, v9  }
0x168: {  	v33 =	vadd.s32 $0x2, v11  }
0x169: {  	v34 =	vadd.s32 $0x3, v10  }
0x16a: {  	v12 =	vmul.f32 v12, v27;
	_ =	sdelay $0x1  }
0x16b: {  	[tilespmem:v32+s15+$0x0] =	vst.idx.add.f32.msk $0xffff, v12  }
0x16c: {  	[tilespmem:v33+s16+$0x0] =	vst.idx.add.f32.msk $0xffff, v12  }
0x16d: {  	v12 =	vld.idx.msk [tilespmem:v34+s13+$0x0], $0xffff;
	_ =	sdelay $0x1  }
0x16e: {  	v35 =	vadd.s32 $0x3, v9  }
0x16f: {  	v36 =	vadd.s32 $0x3, v11  }
0x170: {  	v37 =	vadd.s32 $0x4, v10  }
0x171: {  	v12 =	vmul.f32 v12, v27;
	_ =	sdelay $0x1  }
0x172: {  	[tilespmem:v35+s15+$0x0] =	vst.idx.add.f32.msk $0xffff, v12  }
0x173: {  	[tilespmem:v36+s16+$0x0] =	vst.idx.add.f32.msk $0xffff, v12  }
0x174: {  	v12 =	vld.idx.msk [tilespmem:v37+s13+$0x0], $0xffff;
	_ =	sdelay $0x1  }
0x175: {  	v38 =	vadd.s32 $0x4, v9  }
0x176: {  	v39 =	vadd.s32 $0x4, v11  }
0x177: {  	v40 =	vadd.s32 $0x5, v10  }
0x178: {  	v12 =	vmul.f32 v12, v27;
	_ =	sdelay $0x1  }
0x179: {  	[tilespmem:v38+s15+$0x0] =	vst.idx.add.f32.msk $0xffff, v12  }
0x17a: {  	[tilespmem:v39+s16+$0x0] =	vst.idx.add.f32.msk $0xffff, v12  }
0x17b: {  	v12 =	vld.idx.msk [tilespmem:v40+s13+$0x0], $0xffff;
	_ =	sdelay $0x1  }
0x17c: {  	v41 =	vadd.s32 $0x5, v9  }
0x17d: {  	v42 =	vadd.s32 $0x5, v11  }
0x17e: {  	v43 =	vadd.s32 $0x6, v10  }
0x17f: {  	v12 =	vmul.f32 v12, v27;
	_ =	sdelay $0x1  }
0x180: {  	[tilespmem:v41+s15+$0x0] =	vst.idx.add.f32.msk $0xffff, v12  }
0x181: {  	[tilespmem:v42+s16+$0x0] =	vst.idx.add.f32.msk $0xffff, v12  }
0x182: {  	v12 =	vld.idx.msk [tilespmem:v43+s13+$0x0], $0xffff;
	_ =	sdelay $0x1  }
0x183: {  	v44 =	vadd.s32 $0x6, v9  }
0x184: {  	v45 =	vadd.s32 $0x6, v11  }
0x185: {  	v46 =	vadd.s32 $0x7, v10  }
0x186: {  	v12 =	vmul.f32 v12, v27;
	_ =	sdelay $0x1  }
0x187: {  	[tilespmem:v44+s15+$0x0] =	vst.idx.add.f32.msk $0xffff, v12  }
0x188: {  	[tilespmem:v45+s16+$0x0] =	vst.idx.add.f32.msk $0xffff, v12  }
0x189: {  	v12 =	vld.idx.msk [tilespmem:v46+s13+$0x0], $0xffff;
	_ =	sdelay $0x1  }
0x18a: {  	v47 =	vadd.s32 $0x7, v9  }
0x18b: {  	v48 =	vadd.s32 $0x7, v11  }
0x18c: {  	v49 =	vadd.s32 $0x8, v10  }
0x18d: {  	v12 =	vmul.f32 v12, v27;
	_ =	sdelay $0x1  }
0x18e: {  	[tilespmem:v47+s15+$0x0] =	vst.idx.add.f32.msk $0xffff, v12  }
0x18f: {  	[tilespmem:v48+s16+$0x0] =	vst.idx.add.f32.msk $0xffff, v12  }
0x190: {  	v12 =	vld.idx.msk [tilespmem:v49+s13+$0x0], $0xffff;
	_ =	sdelay $0x1  }
0x191: {  	v50 =	vadd.s32 $0x8, v9  }
0x192: {  	v51 =	vadd.s32 $0x8, v11  }
0x193: {  	v10 =	vadd.s32 $0x9, v10  }
0x194: {  	v12 =	vmul.f32 v12, v27;
	_ =	sdelay $0x1  }
0x195: {  	[tilespmem:v50+s15+$0x0] =	vst.idx.add.f32.msk $0xffff, v12  }
0x196: {  	[tilespmem:v51+s16+$0x0] =	vst.idx.add.f32.msk $0xffff, v12  }
0x197: {  	v10 =	vld.idx.msk [tilespmem:v10+s13+$0x0], $0xffff;
	_ =	sdelay $0x1  }
0x198: {  	v9 =	vadd.s32 $0x9, v9  }
0x199: {  	v11 =	vadd.s32 $0x9, v11  }
0x19a: {  	v52 =	vadd.s32 s18, v7  }
0x19b: {  	v10 =	vmul.f32 v10, v27;
	_ =	sdelay $0x1  }
0x19c: {  	[tilespmem:v9+s15+$0x0] =	vst.idx.add.f32.msk $0xffff, v10  }
0x19d: {  	[tilespmem:v11+s16+$0x0] =	vst.idx.add.f32.msk $0xffff, v10  }
0x19e: {  	v9 =	vld.idx.msk [tilespmem:v52+s11+$0x0], $0xffff;
	_ =	sdelay $0x1  }
0x19f: {  	v10 =	vld.idx.msk [tilespmem:v52+s12+$0x0], $0xffff;
	_ =	sdelay $0x2  }
0x1a0: {  	v11 =	vsub.s32 v9, v1  }
0x1a1: {  	v53 =	vshll.u32 v11, $0x4  }
0x1a2: {  	v13 =	vadd.s32 v10, v53;
	_ =	sdelay $0x4  }
0x1a3: {  	v13 =	vld.idx.msk [tilespmem:v13+s14+$0x0], $0xffff;
	_ =	sdelay $0x2  }
0x1a4: {  	v12 =	vld.idx.msk [tilespmem:v52+s3+$0x0], $0xffff  }
0x1a5: {  	v10 =	vmul.u32 $0xA, v10  }
0x1a6: {  	(erf) = vrcp.f32 v13;
	_ =	sdelay $0x2  }
0x1a7: {  	v9 =	vsub.s32 v9, v12  }
0x1a8: {  	v9 =	vand.u32 $0x3, v9  }
0x1a9: {  	v11 =	vmul.u32 $0x28, v11;
	v9 =	vmul.u32 $0xA, v9;
	v54 =	vld.idx.msk [tilespmem:v10+s13+$0x0], $0xffff  }
0x1aa: {  	v12 =	vsub.s32 v12, v1  }
0x1ab: {  	v9 =	vadd.s32 v11, v9;
	v11 =	vmul.u32 $0xA, v12;
	_ =	sdelay $0x1  }
0x1ac: {  	v56 =	vor.u32 $0x1, v10;
	v55 =	vpop (erf)  }
0x1ad: {  	v13 =	vmul.f32 v55, v54;
	_ =	sdelay $0x1  }
0x1ae: {  	[tilespmem:v9+s15+$0x0] =	vst.idx.add.f32.msk $0xffff, v13  }
0x1af: {  	[tilespmem:v11+s16+$0x0] =	vst.idx.add.f32.msk $0xffff, v13  }
0x1b0: {  	v13 =	vld.idx.msk [tilespmem:v56+s13+$0x0], $0xffff;
	_ =	sdelay $0x1  }
0x1b1: {  	v57 =	vor.u32 $0x1, v9  }
0x1b2: {  	v58 =	vor.u32 $0x1, v11  }
0x1b3: {  	v59 =	vadd.s32 $0x2, v10  }
0x1b4: {  	v13 =	vmul.f32 v13, v55;
	_ =	sdelay $0x1  }
0x1b5: {  	[tilespmem:v57+s15+$0x0] =	vst.idx.add.f32.msk $0xffff, v13  }
0x1b6: {  	[tilespmem:v58+s16+$0x0] =	vst.idx.add.f32.msk $0xffff, v13  }
0x1b7: {  	v13 =	vld.idx.msk [tilespmem:v59+s13+$0x0], $0xffff;
	_ =	sdelay $0x1  }
0x1b8: {  	v60 =	vadd.s32 $0x2, v9  }
0x1b9: {  	v61 =	vadd.s32 $0x2, v11  }
0x1ba: {  	v62 =	vadd.s32 $0x3, v10  }
0x1bb: {  	v13 =	vmul.f32 v13, v55;
	_ =	sdelay $0x1  }
0x1bc: {  	[tilespmem:v60+s15+$0x0] =	vst.idx.add.f32.msk $0xffff, v13  }
0x1bd: {  	[tilespmem:v61+s16+$0x0] =	vst.idx.add.f32.msk $0xffff, v13  }
0x1be: {  	v13 =	vld.idx.msk [tilespmem:v62+s13+$0x0], $0xffff;
	_ =	sdelay $0x1  }
0x1bf: {  	v63 =	vadd.s32 $0x3, v9  }
0x1c0: {  	v20 =	vadd.s32 $0x3, v11  }
0x1c1: {  	v21 =	vadd.s32 $0x4, v10  }
0x1c2: {  	v13 =	vmul.f32 v13, v55;
	_ =	sdelay $0x1  }
0x1c3: {  	[tilespmem:v63+s15+$0x0] =	vst.idx.add.f32.msk $0xffff, v13  }
0x1c4: {  	[tilespmem:v20+s16+$0x0] =	vst.idx.add.f32.msk $0xffff, v13  }
0x1c5: {  	v13 =	vld.idx.msk [tilespmem:v21+s13+$0x0], $0xffff;
	_ =	sdelay $0x1  }
0x1c6: {  	v22 =	vadd.s32 $0x4, v9  }
0x1c7: {  	v23 =	vadd.s32 $0x4, v11  }
0x1c8: {  	v24 =	vadd.s32 $0x5, v10  }
0x1c9: {  	v13 =	vmul.f32 v13, v55;
	_ =	sdelay $0x1  }
0x1ca: {  	[tilespmem:v22+s15+$0x0] =	vst.idx.add.f32.msk $0xffff, v13  }
0x1cb: {  	[tilespmem:v23+s16+$0x0] =	vst.idx.add.f32.msk $0xffff, v13  }
0x1cc: {  	v13 =	vld.idx.msk [tilespmem:v24+s13+$0x0], $0xffff;
	_ =	sdelay $0x1  }
0x1cd: {  	v25 =	vadd.s32 $0x5, v9  }
0x1ce: {  	v26 =	vadd.s32 $0x5, v11  }
0x1cf: {  	v27 =	vadd.s32 $0x6, v10  }
0x1d0: {  	v13 =	vmul.f32 v13, v55;
	_ =	sdelay $0x1  }
0x1d1: {  	[tilespmem:v25+s15+$0x0] =	vst.idx.add.f32.msk $0xffff, v13  }
0x1d2: {  	[tilespmem:v26+s16+$0x0] =	vst.idx.add.f32.msk $0xffff, v13  }
0x1d3: {  	v13 =	vld.idx.msk [tilespmem:v27+s13+$0x0], $0xffff;
	_ =	sdelay $0x1  }
0x1d4: {  	v28 =	vadd.s32 $0x6, v9  }
0x1d5: {  	v29 =	vadd.s32 $0x6, v11  }
0x1d6: {  	v30 =	vadd.s32 $0x7, v10  }
0x1d7: {  	v13 =	vmul.f32 v13, v55;
	_ =	sdelay $0x1  }
0x1d8: {  	[tilespmem:v28+s15+$0x0] =	vst.idx.add.f32.msk $0xffff, v13  }
0x1d9: {  	[tilespmem:v29+s16+$0x0] =	vst.idx.add.f32.msk $0xffff, v13  }
0x1da: {  	v13 =	vld.idx.msk [tilespmem:v30+s13+$0x0], $0xffff;
	_ =	sdelay $0x1  }
0x1db: {  	v31 =	vadd.s32 $0x7, v9  }
0x1dc: {  	v32 =	vadd.s32 $0x7, v11  }
0x1dd: {  	v33 =	vadd.s32 $0x8, v10  }
0x1de: {  	v13 =	vmul.f32 v13, v55;
	_ =	sdelay $0x1  }
0x1df: {  	[tilespmem:v31+s15+$0x0] =	vst.idx.add.f32.msk $0xffff, v13  }
0x1e0: {  	[tilespmem:v32+s16+$0x0] =	vst.idx.add.f32.msk $0xffff, v13  }
0x1e1: {  	v13 =	vld.idx.msk [tilespmem:v33+s13+$0x0], $0xffff;
	_ =	sdelay $0x1  }
0x1e2: {  	v34 =	vadd.s32 $0x8, v9  }
0x1e3: {  	v35 =	vadd.s32 $0x8, v11  }
0x1e4: {  	v10 =	vadd.s32 $0x9, v10  }
0x1e5: {  	v13 =	vmul.f32 v13, v55;
	_ =	sdelay $0x1  }
0x1e6: {  	[tilespmem:v34+s15+$0x0] =	vst.idx.add.f32.msk $0xffff, v13  }
0x1e7: {  	[tilespmem:v35+s16+$0x0] =	vst.idx.add.f32.msk $0xffff, v13  }
0x1e8: {  	v10 =	vld.idx.msk [tilespmem:v10+s13+$0x0], $0xffff;
	_ =	sdelay $0x1  }
0x1e9: {  	v9 =	vadd.s32 $0x9, v9  }
0x1ea: {  	v11 =	vadd.s32 $0x9, v11  }
0x1eb: {  	v36 =	vadd.s32 s18, v8  }
0x1ec: {  	v10 =	vmul.f32 v10, v55;
	_ =	sdelay $0x1  }
0x1ed: {  	[tilespmem:v9+s15+$0x0] =	vst.idx.add.f32.msk $0xffff, v10  }
0x1ee: {  	[tilespmem:v11+s16+$0x0] =	vst.idx.add.f32.msk $0xffff, v10  }
0x1ef: {  	v9 =	vld.idx.msk [tilespmem:v36+s11+$0x0], $0xffff;
	_ =	sdelay $0x1  }
0x1f0: {  	v10 =	vld.idx.msk [tilespmem:v36+s12+$0x0], $0xffff;
	_ =	sdelay $0x2  }
0x1f1: {  	v11 =	vsub.s32 v9, v1  }
0x1f2: {  	v37 =	vshll.u32 v11, $0x4  }
0x1f3: {  	v12 =	vadd.s32 v10, v37;
	_ =	sdelay $0x4  }
0x1f4: {  	v12 =	vld.idx.msk [tilespmem:v12+s14+$0x0], $0xffff;
	_ =	sdelay $0x2  }
0x1f5: {  	v13 =	vld.idx.msk [tilespmem:v36+s3+$0x0], $0xffff  }
0x1f6: {  	v10 =	vmul.u32 $0xA, v10  }
0x1f7: {  	(erf) = vrcp.f32 v12;
	_ =	sdelay $0x2  }
0x1f8: {  	v9 =	vsub.s32 v9, v13  }
0x1f9: {  	v9 =	vand.u32 $0x3, v9  }
0x1fa: {  	v11 =	vmul.u32 $0x28, v11;
	v9 =	vmul.u32 $0xA, v9;
	v38 =	vld.idx.msk [tilespmem:v10+s13+$0x0], $0xffff  }
0x1fb: {  	v13 =	vsub.s32 v13, v1  }
0x1fc: {  	v9 =	vadd.s32 v11, v9;
	v11 =	vmul.u32 $0xA, v13;
	_ =	sdelay $0x1  }
0x1fd: {  	v40 =	vor.u32 $0x1, v10;
	v39 =	vpop (erf)  }
0x1fe: {  	v12 =	vmul.f32 v39, v38;
	_ =	sdelay $0x1  }
0x1ff: {  	[tilespmem:v9+s15+$0x0] =	vst.idx.add.f32.msk $0xffff, v12  }
0x200: {  	[tilespmem:v11+s16+$0x0] =	vst.idx.add.f32.msk $0xffff, v12  }
0x201: {  	v12 =	vld.idx.msk [tilespmem:v40+s13+$0x0], $0xffff;
	_ =	sdelay $0x1  }
0x202: {  	v41 =	vor.u32 $0x1, v9  }
0x203: {  	v42 =	vor.u32 $0x1, v11  }
0x204: {  	v43 =	vadd.s32 $0x2, v10  }
0x205: {  	v12 =	vmul.f32 v12, v39;
	_ =	sdelay $0x1  }
0x206: {  	[tilespmem:v41+s15+$0x0] =	vst.idx.add.f32.msk $0xffff, v12  }
0x207: {  	[tilespmem:v42+s16+$0x0] =	vst.idx.add.f32.msk $0xffff, v12  }
0x208: {  	v12 =	vld.idx.msk [tilespmem:v43+s13+$0x0], $0xffff;
	_ =	sdelay $0x1  }
0x209: {  	v44 =	vadd.s32 $0x2, v9  }
0x20a: {  	v45 =	vadd.s32 $0x2, v11  }
0x20b: {  	v46 =	vadd.s32 $0x3, v10  }
0x20c: {  	v12 =	vmul.f32 v12, v39;
	_ =	sdelay $0x1  }
0x20d: {  	[tilespmem:v44+s15+$0x0] =	vst.idx.add.f32.msk $0xffff, v12  }
0x20e: {  	[tilespmem:v45+s16+$0x0] =	vst.idx.add.f32.msk $0xffff, v12  }
0x20f: {  	v12 =	vld.idx.msk [tilespmem:v46+s13+$0x0], $0xffff;
	_ =	sdelay $0x1  }
0x210: {  	v47 =	vadd.s32 $0x3, v9  }
0x211: {  	v48 =	vadd.s32 $0x3, v11  }
0x212: {  	v49 =	vadd.s32 $0x4, v10  }
0x213: {  	v12 =	vmul.f32 v12, v39;
	_ =	sdelay $0x1  }
0x214: {  	[tilespmem:v47+s15+$0x0] =	vst.idx.add.f32.msk $0xffff, v12  }
0x215: {  	[tilespmem:v48+s16+$0x0] =	vst.idx.add.f32.msk $0xffff, v12  }
0x216: {  	v12 =	vld.idx.msk [tilespmem:v49+s13+$0x0], $0xffff;
	_ =	sdelay $0x1  }
0x217: {  	v50 =	vadd.s32 $0x4, v9  }
0x218: {  	v51 =	vadd.s32 $0x4, v11  }
0x219: {  	v52 =	vadd.s32 $0x5, v10  }
0x21a: {  	v12 =	vmul.f32 v12, v39;
	_ =	sdelay $0x1  }
0x21b: {  	[tilespmem:v50+s15+$0x0] =	vst.idx.add.f32.msk $0xffff, v12  }
0x21c: {  	[tilespmem:v51+s16+$0x0] =	vst.idx.add.f32.msk $0xffff, v12  }
0x21d: {  	v12 =	vld.idx.msk [tilespmem:v52+s13+$0x0], $0xffff;
	_ =	sdelay $0x1  }
0x21e: {  	v53 =	vadd.s32 $0x5, v9  }
0x21f: {  	v54 =	vadd.s32 $0x5, v11  }
0x220: {  	v55 =	vadd.s32 $0x6, v10  }
0x221: {  	v12 =	vmul.f32 v12, v39;
	_ =	sdelay $0x1  }
0x222: {  	[tilespmem:v53+s15+$0x0] =	vst.idx.add.f32.msk $0xffff, v12  }
0x223: {  	[tilespmem:v54+s16+$0x0] =	vst.idx.add.f32.msk $0xffff, v12  }
0x224: {  	v12 =	vld.idx.msk [tilespmem:v55+s13+$0x0], $0xffff;
	_ =	sdelay $0x1  }
0x225: {  	v56 =	vadd.s32 $0x6, v9  }
0x226: {  	v57 =	vadd.s32 $0x6, v11  }
0x227: {  	v58 =	vadd.s32 $0x7, v10  }
0x228: {  	v12 =	vmul.f32 v12, v39;
	_ =	sdelay $0x1  }
0x229: {  	[tilespmem:v56+s15+$0x0] =	vst.idx.add.f32.msk $0xffff, v12  }
0x22a: {  	[tilespmem:v57+s16+$0x0] =	vst.idx.add.f32.msk $0xffff, v12  }
0x22b: {  	v12 =	vld.idx.msk [tilespmem:v58+s13+$0x0], $0xffff;
	_ =	sdelay $0x1  }
0x22c: {  	v59 =	vadd.s32 $0x7, v9  }
0x22d: {  	v60 =	vadd.s32 $0x7, v11  }
0x22e: {  	v61 =	vadd.s32 $0x8, v10  }
0x22f: {  	v12 =	vmul.f32 v12, v39;
	_ =	sdelay $0x1  }
0x230: {  	[tilespmem:v59+s15+$0x0] =	vst.idx.add.f32.msk $0xffff, v12  }
0x231: {  	[tilespmem:v60+s16+$0x0] =	vst.idx.add.f32.msk $0xffff, v12  }
0x232: {  	v12 =	vld.idx.msk [tilespmem:v61+s13+$0x0], $0xffff;
	_ =	sdelay $0x1  }
0x233: {  	v62 =	vadd.s32 $0x8, v9  }
0x234: {  	v63 =	vadd.s32 $0x8, v11  }
0x235: {  	v10 =	vadd.s32 $0x9, v10  }
0x236: {  	v12 =	vmul.f32 v12, v39;
	_ =	sdelay $0x1  }
0x237: {  	[tilespmem:v62+s15+$0x0] =	vst.idx.add.f32.msk $0xffff, v12  }
0x238: {  	[tilespmem:v63+s16+$0x0] =	vst.idx.add.f32.msk $0xffff, v12  }
0x239: {  	v10 =	vld.idx.msk [tilespmem:v10+s13+$0x0], $0xffff;
	_ =	sdelay $0x1  }
0x23a: {  	v9 =	vadd.s32 $0x9, v9  }
0x23b: {  	p0 =	sne.s32 s18, $0x2A0;
	v11 =	vadd.s32 $0x9, v11  }
.Ltmp4:
0x23c: {  	_ = 	snop;
	(pc) =	sbr.rel @p0 .LBB2_9-.Ltmp4, $3  }
0x23d: {  	v10 =	vmul.f32 v10, v39;
	_ =	sdelay $0x1  }
0x23e: {  	[tilespmem:v9+s15+$0x0] =	vst.idx.add.f32.msk $0xffff, v10  }
0x23f: {  	s18 =	sadd.s32 $0x60, s18;
	[tilespmem:v11+s16+$0x0] =	vst.idx.add.f32.msk $0xffff, v10  }
0x240: {  	[hbm4b:s7+s3] =	stream.linear.scatter [tilespmem:s15], [sflag:$0x1], $0x5000, $0x38;
	[tilespmem:$0x8E00] =	vst v63  }
0x241: {  	s17 =	sadd.s32 $0x1, s17;
	_ =	swait.ge [sflag:s10], $0x5000  }
0x242: {  	p0 =	sne.s32 s17, s9;
	[sflag:s10] =	ssyncset.done $0x0  }
.Ltmp5:
0x243: {  	[sflag:s10] =	ssyncadd.s32 $0xFFFFB000;
	(pc) =	sbr.rel @p0 .LBB2_1-.Ltmp5, $4  }
0x244: {  	[hbm4b:s8+s3] =	stream.linear.scatter [tilespmem:s16], [sflag:$0x1], $0x1400, $0x38;
	[tilespmem:$0x8E00] =	vst v63  }
0x245: {  	_ =	swait.ge [sflag:s10], $0x1400  }
0x246: {  	[sflag:s10] =	ssyncset.done $0x0  }
0x247: {  	[sflag:s10] =	ssyncadd.s32 $0xFFFFEC00  }
0x248: {  	_ =	sfence.sel $0x180000  }
0x249: {  	[bflag:$0x0] =	sbarrier.arrive $0xFFFF  }
0x24a: {  	p0 =	sne.s32 s0, $0x0;
	_ =	strace $0x90000047  }
0x24b: {  	s0 =	sadd.s32 @!p0 $0x100000, s1;
	[bflag:$0x2] =	sbarrier.arrive $0xFFFF  }
0x24c: {  	[sflag:s0] =	ssyncadd.tile.s32 @!p0 $0x1;
	_ =	shalt  }
.Lfunc_end2:
_tile_overlayer_lowered:
.L_overlay_start_2:
0x24d: {  	(tag) =	ssettag $0x2  }
0x24e: {  	s0 =	rddreg [dreg:$0x0];
	s2 =	stileid.u32  }
0x24f: {  	s1 =	rddreg [dreg:$0x1];
	p0 =	sne.s32 s2, $0x0  }
0x250: {  	s3 =	rddreg [dreg:$0x2];
	[bflag:$0x3] =	sbarrier.arrive $0xFFFF;
	s2 =	simm.s32 @!p0 $0x1C01  }
0x251: {  	[timem:s3], [sflag:s2] =	dma.local @!p0 [hbm:s0], s1  }
0x252: {  	s0 =	simm.s32 @!p0 $0x1  }
0x253: {  	_ =	swait.ge @!p0 [sflag:s0], s1  }
0x254: {  	s1 =	ssub.s32 @!p0 $0x0, s1;
	[sflag:s0] =	ssyncset.done @!p0 $0x0  }
0x255: {  	[sflag:s0] =	ssyncadd.s32 @!p0 s1  }
0x256: {  	[bflag:$0x3] =	sbarrier.arrive $0xFFFF  }
0x257: {  	_ =	shalt  }

</sc_bundles>
